<compile_context>
chip_gen: v7x
topology: tpu7x:2x2x1
jax: 0.10.2.dev20260603
libtpu: 0.0.44.dev20260713+nightly
codegen_flags: <defaults>
</compile_context>

<pallas_src>
import functools

import jax
import jax.numpy as jnp
from jax import lax
from jax.experimental import pallas as pl
from jax.experimental.pallas import tpu as pltpu
from jax.experimental.pallas import tpu_sc as plsc

BATCH = 16384
HIDDEN = 64
LANES = 16
N_CHUNKS = 4
CHUNK = 128
B_PER_W = N_CHUNKS * CHUNK
N_WORKERS = BATCH // B_PER_W
NODE_BLK = 16384
NODE_SPLIT = 31 * NODE_BLK
NODE_DATA = 31 * NODE_BLK
NODE_ZERO = NODE_DATA
RED_BLK = 2048


def _pack_split_body(a_ref, b_ref, dst_ref):
    dst_ref[...] = jnp.concatenate([a_ref[...], b_ref[...]], axis=0).T


def _zero_body(tab_any, dst_ref):
    del tab_any
    dst_ref[...] = jnp.zeros_like(dst_ref)


def _node_table(table_t):
    s_blk = NODE_SPLIT // NODE_BLK
    tab = pl.pallas_call(
        _pack_split_body,
        grid=(NODE_DATA // NODE_BLK,),
        in_specs=[
            pl.BlockSpec((HIDDEN, NODE_BLK), lambda i: (0, i)),
            pl.BlockSpec((HIDDEN, NODE_BLK),
                         lambda i, s_blk=s_blk: (0, i + s_blk)),
        ],
        out_specs=pl.BlockSpec((NODE_BLK, 2 * HIDDEN), lambda i: (i, 0)),
        out_shape=jax.ShapeDtypeStruct((NODE_DATA + NODE_BLK, 2 * HIDDEN),
                                       jnp.float32),
    )(table_t, table_t)
    return pl.pallas_call(
        _zero_body,
        grid=(1,),
        in_specs=[pl.BlockSpec(memory_space=pltpu.MemorySpace.HBM)],
        out_specs=pl.BlockSpec(
            (NODE_BLK, 2 * HIDDEN),
            lambda i: (NODE_DATA // NODE_BLK, 0)),
        out_shape=jax.ShapeDtypeStruct((NODE_DATA + NODE_BLK, 2 * HIDDEN),
                                       jnp.float32),
        input_output_aliases={0: 0},
    )(tab)


def _pack_dup_body(a_ref, dst_ref):
    a = a_ref[...]
    dst_ref[...] = jnp.concatenate([a, a], axis=0).T


def _rel_table(table_t):
    return pl.pallas_call(
        _pack_dup_body,
        grid=(1,),
        in_specs=[pl.BlockSpec((HIDDEN, 512), lambda i: (0, 0))],
        out_specs=pl.BlockSpec((512, 2 * HIDDEN), lambda i: (0, 0)),
        out_shape=jax.ShapeDtypeStruct((512, 2 * HIDDEN), jnp.float32),
    )(table_t)


def _reduce_body(p_ref, o_ref):
    o_ref[...] = jnp.sum(p_ref[...], axis=1)


def _distmult_sc_body(node_hbm, rel_hbm, hlo_hbm, hhi_hbm, rel_idx_hbm,
                      tlo_hbm, thi_hbm, out_hbm, idx_hlo, idx_hhi, idx_r,
                      idx_tlo, idx_thi, hlo_v, hhi_v, r_v, tlo_v, thi_v,
                      pacc_v, sem_h, sem_r, sem_t):
    wid = lax.axis_index("s") * 2 + lax.axis_index("c")

    pltpu.sync_copy(hlo_hbm.at[wid], idx_hlo)
    pltpu.sync_copy(hhi_hbm.at[wid], idx_hhi)
    pltpu.sync_copy(rel_idx_hbm.at[wid], idx_r)
    pltpu.sync_copy(tlo_hbm.at[wid], idx_tlo)
    pltpu.sync_copy(thi_hbm.at[wid], idx_thi)

    def gather(j):
        return (
            pltpu.make_async_copy(node_hbm.at[idx_hlo.at[j]], hlo_v, sem_h),
            pltpu.make_async_copy(node_hbm.at[idx_hhi.at[j]], hhi_v, sem_h),
            pltpu.make_async_copy(rel_hbm.at[idx_r.at[j]], r_v, sem_r),
            pltpu.make_async_copy(node_hbm.at[idx_tlo.at[j]], tlo_v, sem_t),
            pltpu.make_async_copy(node_hbm.at[idx_thi.at[j]], thi_v, sem_t),
        )

    for j in range(N_CHUNKS):
        for c in gather(j):
            c.start()
        for c in gather(j):
            c.wait()

        def row_body(i, _):
            acc = jnp.zeros((LANES,), jnp.float32)
            for g in range(HIDDEN // LANES):
                lo = pl.ds(g * LANES, LANES)
                hi = pl.ds(HIDDEN + g * LANES, LANES)
                hk = hlo_v[i, lo] + hhi_v[i, hi]
                tk = tlo_v[i, lo] + thi_v[i, hi]
                acc = acc + hk * r_v[i, lo] * tk
            pacc_v[i] = acc
            return 0

        lax.fori_loop(0, CHUNK, row_body, 0)
        pltpu.sync_copy(
            pacc_v, out_hbm.at[pl.ds(wid * B_PER_W + j * CHUNK, CHUNK)])


def _split_idx(idx):
    dummy = NODE_ZERO + (jnp.arange(BATCH, dtype=jnp.int32) % NODE_BLK)
    in_lo = idx < NODE_SPLIT
    lo = jnp.where(in_lo, idx, dummy).reshape(N_WORKERS, N_CHUNKS, CHUNK)
    hi = jnp.where(in_lo, dummy, idx - NODE_SPLIT).reshape(
        N_WORKERS, N_CHUNKS, CHUNK)
    return lo, hi


def kernel(head_index, rel_type, tail_index, node_emb, rel_emb):
    hlo, hhi = _split_idx(head_index)
    tlo, thi = _split_idx(tail_index)
    rel3d = rel_type.reshape(N_WORKERS, N_CHUNKS, CHUNK)
    node_tab = _node_table(node_emb.T)
    rel_tab = _rel_table(rel_emb.T)

    mesh = plsc.VectorSubcoreMesh(core_axis_name="c", subcore_axis_name="s")
    idx_t = pltpu.VMEM((N_CHUNKS, CHUNK), jnp.int32)
    row_t = pltpu.VMEM((CHUNK, 2 * HIDDEN), jnp.float32)
    sc_run = functools.partial(
        pl.kernel,
        mesh=mesh,
        compiler_params=pltpu.CompilerParams(use_tc_tiling_on_sc=True),
        out_type=jax.ShapeDtypeStruct((BATCH, LANES), jnp.float32),
        scratch_types=[
            idx_t, idx_t, idx_t, idx_t, idx_t,
            row_t, row_t, row_t, row_t, row_t,
            pltpu.VMEM((CHUNK, LANES), jnp.float32),
            pltpu.SemaphoreType.DMA,
            pltpu.SemaphoreType.DMA,
            pltpu.SemaphoreType.DMA,
        ],
    )(_distmult_sc_body)
    pacc = sc_run(node_tab, rel_tab, hlo, hhi, rel3d, tlo, thi)

    return pl.pallas_call(
        _reduce_body,
        grid=(BATCH // RED_BLK,),
        in_specs=[pl.BlockSpec((RED_BLK, LANES), lambda i: (i, 0))],
        out_specs=pl.BlockSpec((RED_BLK,), lambda i: (i,)),
        out_shape=jax.ShapeDtypeStruct((BATCH,), jnp.float32),
    )(pacc)

# --- scband reference (transcript-rebuilt; emitter-appended) ---
"""Pipeline reference for scband-dist-mult-mod-18090402251291 (READ-ONLY COPY).

The authoritative reference and input builder live on the scoring server;
editing this copy changes nothing except your own understanding.
"""

import jax, jax.numpy as jnp
import numpy as np

NUM_NODES = 1000000
NUM_RELATIONS = 500
HIDDEN = 64
BATCH = 16384


def setup_inputs(seed: int = 0) -> dict:
    key = jax.random.key(seed)
    k1, k2, k3, k4, k5 = jax.random.split(key, 5)
    head_index = jax.random.randint(k1, (BATCH,), 0, NUM_NODES, dtype=jnp.int32)
    rel_type = jax.random.randint(k2, (BATCH,), 0, NUM_RELATIONS, dtype=jnp.int32)
    tail_index = jax.random.randint(k3, (BATCH,), 0, NUM_NODES, dtype=jnp.int32)
    # Learned parameters: node embedding table and relation embedding table.
    # rel_emb uses xavier_uniform-style init as in reset_parameters(); node_emb
    # is uninitialized in the original (torch.empty), we use small normals.
    node_emb = jax.random.normal(k4, (NUM_NODES, HIDDEN), dtype=jnp.float32) * 0.1
    bound = float(np.sqrt(6.0 / (NUM_RELATIONS + HIDDEN)))
    rel_emb = jax.random.uniform(k5, (NUM_RELATIONS, HIDDEN), dtype=jnp.float32, minval=-bound, maxval=bound)
    return {
        'head_index': head_index,
        'rel_type': rel_type,
        'tail_index': tail_index,
        'node_emb': node_emb,
        'rel_emb': rel_emb,
    }


def reference(head_index, rel_type, tail_index, node_emb, rel_emb):
    # DistMult score: d(h, r, t) = <e_h, e_r, e_t>
    # The original's per-row Python loop over heterogeneous node types collapses
    # to plain row gathers on the single node embedding table it declares.
    head = jnp.take(node_emb, head_index, axis=0)   # [B, H] gather
    tail = jnp.take(node_emb, tail_index, axis=0)   # [B, H] gather
    rel = jnp.take(rel_emb, rel_type, axis=0)       # [B, H] gather
    return (head * rel * tail).sum(axis=-1)         # [B]

if __name__ == "__main__":
    import jax
    _d = setup_inputs()
    print(jax.jit(kernel)(*tuple(_d.values())))

</pallas_src>

<mosaic_0001>
#map = affine_map<(d0, d1) -> (0, 0)>
#map1 = affine_map<(d0, d1) -> (0, 0, 0)>
module attributes {stable_mosaic.version = 14 : i64} {
  func.func @_distmult_sc_body(%arg0: i32, %arg1: i32, %arg2: memref<524288x128xf32, #tpu.memory_space<hbm>>, %arg3: memref<512x128xf32, #tpu.memory_space<hbm>>, %arg4: memref<32x4x128xi32, #tpu.memory_space<hbm>>, %arg5: memref<32x4x128xi32, #tpu.memory_space<hbm>>, %arg6: memref<32x4x128xi32, #tpu.memory_space<hbm>>, %arg7: memref<32x4x128xi32, #tpu.memory_space<hbm>>, %arg8: memref<32x4x128xi32, #tpu.memory_space<hbm>>, %arg9: memref<16384x16xf32, #tpu.memory_space<hbm>>, %arg10: memref<4x128xi32, #tpu.memory_space<vmem>>, %arg11: memref<4x128xi32, #tpu.memory_space<vmem>>, %arg12: memref<4x128xi32, #tpu.memory_space<vmem>>, %arg13: memref<4x128xi32, #tpu.memory_space<vmem>>, %arg14: memref<4x128xi32, #tpu.memory_space<vmem>>, %arg15: memref<128x128xf32, #tpu.memory_space<vmem>>, %arg16: memref<128x128xf32, #tpu.memory_space<vmem>>, %arg17: memref<128x128xf32, #tpu.memory_space<vmem>>, %arg18: memref<128x128xf32, #tpu.memory_space<vmem>>, %arg19: memref<128x128xf32, #tpu.memory_space<vmem>>, %arg20: memref<128x16xf32, #tpu.memory_space<vmem>>, %arg21: memref<!tpu.dma_semaphore, #tpu.memory_space<semaphore_mem>>, %arg22: memref<!tpu.dma_semaphore, #tpu.memory_space<semaphore_mem>>, %arg23: memref<!tpu.dma_semaphore, #tpu.memory_space<semaphore_mem>>) attributes {dimension_semantics = [#tpu.dimension_semantics<core_parallel>, #tpu.dimension_semantics<subcore_parallel>], iteration_bounds = array<i64: 2, 16>, scalar_prefetch = 0 : i64, scratch_operands = 14 : i64, tpu.core_type = #tpu.core_type<sc_vector_subcore>, window_params = [{transform_indices = #map}, {transform_indices = #map}, {transform_indices = #map1}, {transform_indices = #map1}, {transform_indices = #map1}, {transform_indices = #map1}, {transform_indices = #map1}, {transform_indices = #map}]} {
    %mul3A = arith.constant 2 : i32
    %mul3A_0 = arith.muli %arg1, %mul3A : i32
    %add3A = arith.addi %mul3A_0, %arg0 : i32
    "tpu.region"() ({
      %run_scoped3A = tpu.sem_alloc : memref<!tpu.dma_semaphore, #tpu.memory_space<semaphore_mem>>
      %dma_start3A_322 = arith.constant 0 : i32
      %dma_start3A_323 = arith.constant 0 : i32
      %dma_start3A_324 = tpu.memref_slice %arg4[%add3A, %dma_start3A_322, %dma_start3A_323] : memref<32x4x128xi32, #tpu.memory_space<hbm>> -> memref<1x4x128xi32, #tpu.memory_space<hbm>>
      %dma_start3A_325 = tpu.memref_squeeze %dma_start3A_324 : memref<1x4x128xi32, #tpu.memory_space<hbm>> -> memref<4x128xi32, #tpu.memory_space<hbm>>
      %dma_start3A_326 = arith.constant 0 : i32
      %dma_start3A_327 = arith.constant 0 : i32
      %dma_start3A_328 = tpu.memref_slice %arg4[%add3A, %dma_start3A_326, %dma_start3A_327] : memref<32x4x128xi32, #tpu.memory_space<hbm>> -> memref<1x4x128xi32, #tpu.memory_space<hbm>>
      %dma_start3A_329 = tpu.memref_squeeze %dma_start3A_328 : memref<1x4x128xi32, #tpu.memory_space<hbm>> -> memref<4x128xi32, #tpu.memory_space<hbm>>
      tpu.enqueue_dma source(%dma_start3A_329 : memref<4x128xi32, #tpu.memory_space<hbm>>) target(%arg10 : memref<4x128xi32, #tpu.memory_space<vmem>>) target_semaphore(%run_scoped3A : memref<!tpu.dma_semaphore, #tpu.memory_space<semaphore_mem>>)
      %dma_wait3A_330 = arith.constant 0 : i32
      %dma_wait3A_331 = arith.constant 0 : i32
      %dma_wait3A_332 = tpu.memref_slice %arg4[%add3A, %dma_wait3A_330, %dma_wait3A_331] : memref<32x4x128xi32, #tpu.memory_space<hbm>> -> memref<1x4x128xi32, #tpu.memory_space<hbm>>
      %dma_wait3A_333 = tpu.memref_squeeze %dma_wait3A_332 : memref<1x4x128xi32, #tpu.memory_space<hbm>> -> memref<4x128xi32, #tpu.memory_space<hbm>>
      %dma_wait3A_334 = arith.constant 0 : i32
      %dma_wait3A_335 = arith.constant 0 : i32
      %dma_wait3A_336 = tpu.memref_slice %arg4[%add3A, %dma_wait3A_334, %dma_wait3A_335] : memref<32x4x128xi32, #tpu.memory_space<hbm>> -> memref<1x4x128xi32, #tpu.memory_space<hbm>>
      %dma_wait3A_337 = tpu.memref_squeeze %dma_wait3A_336 : memref<1x4x128xi32, #tpu.memory_space<hbm>> -> memref<4x128xi32, #tpu.memory_space<hbm>>
      tpu.wait_dma2 semaphore(%run_scoped3A : memref<!tpu.dma_semaphore, #tpu.memory_space<semaphore_mem>>) src(%dma_wait3A_337 : memref<4x128xi32, #tpu.memory_space<hbm>>) dst(%arg10 : memref<4x128xi32, #tpu.memory_space<vmem>>)
      tpu.yield
    }) : () -> ()
    "tpu.region"() ({
      %run_scoped3A = tpu.sem_alloc : memref<!tpu.dma_semaphore, #tpu.memory_space<semaphore_mem>>
      %dma_start3A_322 = arith.constant 0 : i32
      %dma_start3A_323 = arith.constant 0 : i32
      %dma_start3A_324 = tpu.memref_slice %arg5[%add3A, %dma_start3A_322, %dma_start3A_323] : memref<32x4x128xi32, #tpu.memory_space<hbm>> -> memref<1x4x128xi32, #tpu.memory_space<hbm>>
      %dma_start3A_325 = tpu.memref_squeeze %dma_start3A_324 : memref<1x4x128xi32, #tpu.memory_space<hbm>> -> memref<4x128xi32, #tpu.memory_space<hbm>>
      %dma_start3A_326 = arith.constant 0 : i32
      %dma_start3A_327 = arith.constant 0 : i32
      %dma_start3A_328 = tpu.memref_slice %arg5[%add3A, %dma_start3A_326, %dma_start3A_327] : memref<32x4x128xi32, #tpu.memory_space<hbm>> -> memref<1x4x128xi32, #tpu.memory_space<hbm>>
      %dma_start3A_329 = tpu.memref_squeeze %dma_start3A_328 : memref<1x4x128xi32, #tpu.memory_space<hbm>> -> memref<4x128xi32, #tpu.memory_space<hbm>>
      tpu.enqueue_dma source(%dma_start3A_329 : memref<4x128xi32, #tpu.memory_space<hbm>>) target(%arg11 : memref<4x128xi32, #tpu.memory_space<vmem>>) target_semaphore(%run_scoped3A : memref<!tpu.dma_semaphore, #tpu.memory_space<semaphore_mem>>)
      %dma_wait3A_330 = arith.constant 0 : i32
      %dma_wait3A_331 = arith.constant 0 : i32
      %dma_wait3A_332 = tpu.memref_slice %arg5[%add3A, %dma_wait3A_330, %dma_wait3A_331] : memref<32x4x128xi32, #tpu.memory_space<hbm>> -> memref<1x4x128xi32, #tpu.memory_space<hbm>>
      %dma_wait3A_333 = tpu.memref_squeeze %dma_wait3A_332 : memref<1x4x128xi32, #tpu.memory_space<hbm>> -> memref<4x128xi32, #tpu.memory_space<hbm>>
      %dma_wait3A_334 = arith.constant 0 : i32
      %dma_wait3A_335 = arith.constant 0 : i32
      %dma_wait3A_336 = tpu.memref_slice %arg5[%add3A, %dma_wait3A_334, %dma_wait3A_335] : memref<32x4x128xi32, #tpu.memory_space<hbm>> -> memref<1x4x128xi32, #tpu.memory_space<hbm>>
      %dma_wait3A_337 = tpu.memref_squeeze %dma_wait3A_336 : memref<1x4x128xi32, #tpu.memory_space<hbm>> -> memref<4x128xi32, #tpu.memory_space<hbm>>
      tpu.wait_dma2 semaphore(%run_scoped3A : memref<!tpu.dma_semaphore, #tpu.memory_space<semaphore_mem>>) src(%dma_wait3A_337 : memref<4x128xi32, #tpu.memory_space<hbm>>) dst(%arg11 : memref<4x128xi32, #tpu.memory_space<vmem>>)
      tpu.yield
    }) : () -> ()
    "tpu.region"() ({
      %run_scoped3A = tpu.sem_alloc : memref<!tpu.dma_semaphore, #tpu.memory_space<semaphore_mem>>
      %dma_start3A_322 = arith.constant 0 : i32
      %dma_start3A_323 = arith.constant 0 : i32
      %dma_start3A_324 = tpu.memref_slice %arg6[%add3A, %dma_start3A_322, %dma_start3A_323] : memref<32x4x128xi32, #tpu.memory_space<hbm>> -> memref<1x4x128xi32, #tpu.memory_space<hbm>>
      %dma_start3A_325 = tpu.memref_squeeze %dma_start3A_324 : memref<1x4x128xi32, #tpu.memory_space<hbm>> -> memref<4x128xi32, #tpu.memory_space<hbm>>
      %dma_start3A_326 = arith.constant 0 : i32
      %dma_start3A_327 = arith.constant 0 : i32
      %dma_start3A_328 = tpu.memref_slice %arg6[%add3A, %dma_start3A_326, %dma_start3A_327] : memref<32x4x128xi32, #tpu.memory_space<hbm>> -> memref<1x4x128xi32, #tpu.memory_space<hbm>>
      %dma_start3A_329 = tpu.memref_squeeze %dma_start3A_328 : memref<1x4x128xi32, #tpu.memory_space<hbm>> -> memref<4x128xi32, #tpu.memory_space<hbm>>
      tpu.enqueue_dma source(%dma_start3A_329 : memref<4x128xi32, #tpu.memory_space<hbm>>) target(%arg12 : memref<4x128xi32, #tpu.memory_space<vmem>>) target_semaphore(%run_scoped3A : memref<!tpu.dma_semaphore, #tpu.memory_space<semaphore_mem>>)
      %dma_wait3A_330 = arith.constant 0 : i32
      %dma_wait3A_331 = arith.constant 0 : i32
      %dma_wait3A_332 = tpu.memref_slice %arg6[%add3A, %dma_wait3A_330, %dma_wait3A_331] : memref<32x4x128xi32, #tpu.memory_space<hbm>> -> memref<1x4x128xi32, #tpu.memory_space<hbm>>
      %dma_wait3A_333 = tpu.memref_squeeze %dma_wait3A_332 : memref<1x4x128xi32, #tpu.memory_space<hbm>> -> memref<4x128xi32, #tpu.memory_space<hbm>>
      %dma_wait3A_334 = arith.constant 0 : i32
      %dma_wait3A_335 = arith.constant 0 : i32
      %dma_wait3A_336 = tpu.memref_slice %arg6[%add3A, %dma_wait3A_334, %dma_wait3A_335] : memref<32x4x128xi32, #tpu.memory_space<hbm>> -> memref<1x4x128xi32, #tpu.memory_space<hbm>>
      %dma_wait3A_337 = tpu.memref_squeeze %dma_wait3A_336 : memref<1x4x128xi32, #tpu.memory_space<hbm>> -> memref<4x128xi32, #tpu.memory_space<hbm>>
      tpu.wait_dma2 semaphore(%run_scoped3A : memref<!tpu.dma_semaphore, #tpu.memory_space<semaphore_mem>>) src(%dma_wait3A_337 : memref<4x128xi32, #tpu.memory_space<hbm>>) dst(%arg12 : memref<4x128xi32, #tpu.memory_space<vmem>>)
      tpu.yield
    }) : () -> ()
    "tpu.region"() ({
      %run_scoped3A = tpu.sem_alloc : memref<!tpu.dma_semaphore, #tpu.memory_space<semaphore_mem>>
      %dma_start3A_322 = arith.constant 0 : i32
      %dma_start3A_323 = arith.constant 0 : i32
      %dma_start3A_324 = tpu.memref_slice %arg7[%add3A, %dma_start3A_322, %dma_start3A_323] : memref<32x4x128xi32, #tpu.memory_space<hbm>> -> memref<1x4x128xi32, #tpu.memory_space<hbm>>
      %dma_start3A_325 = tpu.memref_squeeze %dma_start3A_324 : memref<1x4x128xi32, #tpu.memory_space<hbm>> -> memref<4x128xi32, #tpu.memory_space<hbm>>
      %dma_start3A_326 = arith.constant 0 : i32
      %dma_start3A_327 = arith.constant 0 : i32
      %dma_start3A_328 = tpu.memref_slice %arg7[%add3A, %dma_start3A_326, %dma_start3A_327] : memref<32x4x128xi32, #tpu.memory_space<hbm>> -> memref<1x4x128xi32, #tpu.memory_space<hbm>>
      %dma_start3A_329 = tpu.memref_squeeze %dma_start3A_328 : memref<1x4x128xi32, #tpu.memory_space<hbm>> -> memref<4x128xi32, #tpu.memory_space<hbm>>
      tpu.enqueue_dma source(%dma_start3A_329 : memref<4x128xi32, #tpu.memory_space<hbm>>) target(%arg13 : memref<4x128xi32, #tpu.memory_space<vmem>>) target_semaphore(%run_scoped3A : memref<!tpu.dma_semaphore, #tpu.memory_space<semaphore_mem>>)
      %dma_wait3A_330 = arith.constant 0 : i32
      %dma_wait3A_331 = arith.constant 0 : i32
      %dma_wait3A_332 = tpu.memref_slice %arg7[%add3A, %dma_wait3A_330, %dma_wait3A_331] : memref<32x4x128xi32, #tpu.memory_space<hbm>> -> memref<1x4x128xi32, #tpu.memory_space<hbm>>
      %dma_wait3A_333 = tpu.memref_squeeze %dma_wait3A_332 : memref<1x4x128xi32, #tpu.memory_space<hbm>> -> memref<4x128xi32, #tpu.memory_space<hbm>>
      %dma_wait3A_334 = arith.constant 0 : i32
      %dma_wait3A_335 = arith.constant 0 : i32
      %dma_wait3A_336 = tpu.memref_slice %arg7[%add3A, %dma_wait3A_334, %dma_wait3A_335] : memref<32x4x128xi32, #tpu.memory_space<hbm>> -> memref<1x4x128xi32, #tpu.memory_space<hbm>>
      %dma_wait3A_337 = tpu.memref_squeeze %dma_wait3A_336 : memref<1x4x128xi32, #tpu.memory_space<hbm>> -> memref<4x128xi32, #tpu.memory_space<hbm>>
      tpu.wait_dma2 semaphore(%run_scoped3A : memref<!tpu.dma_semaphore, #tpu.memory_space<semaphore_mem>>) src(%dma_wait3A_337 : memref<4x128xi32, #tpu.memory_space<hbm>>) dst(%arg13 : memref<4x128xi32, #tpu.memory_space<vmem>>)
      tpu.yield
    }) : () -> ()
    "tpu.region"() ({
      %run_scoped3A = tpu.sem_alloc : memref<!tpu.dma_semaphore, #tpu.memory_space<semaphore_mem>>
      %dma_start3A_322 = arith.constant 0 : i32
      %dma_start3A_323 = arith.constant 0 : i32
      %dma_start3A_324 = tpu.memref_slice %arg8[%add3A, %dma_start3A_322, %dma_start3A_323] : memref<32x4x128xi32, #tpu.memory_space<hbm>> -> memref<1x4x128xi32, #tpu.memory_space<hbm>>
      %dma_start3A_325 = tpu.memref_squeeze %dma_start3A_324 : memref<1x4x128xi32, #tpu.memory_space<hbm>> -> memref<4x128xi32, #tpu.memory_space<hbm>>
      %dma_start3A_326 = arith.constant 0 : i32
      %dma_start3A_327 = arith.constant 0 : i32
      %dma_start3A_328 = tpu.memref_slice %arg8[%add3A, %dma_start3A_326, %dma_start3A_327] : memref<32x4x128xi32, #tpu.memory_space<hbm>> -> memref<1x4x128xi32, #tpu.memory_space<hbm>>
      %dma_start3A_329 = tpu.memref_squeeze %dma_start3A_328 : memref<1x4x128xi32, #tpu.memory_space<hbm>> -> memref<4x128xi32, #tpu.memory_space<hbm>>
      tpu.enqueue_dma source(%dma_start3A_329 : memref<4x128xi32, #tpu.memory_space<hbm>>) target(%arg14 : memref<4x128xi32, #tpu.memory_space<vmem>>) target_semaphore(%run_scoped3A : memref<!tpu.dma_semaphore, #tpu.memory_space<semaphore_mem>>)
      %dma_wait3A_330 = arith.constant 0 : i32
      %dma_wait3A_331 = arith.constant 0 : i32
      %dma_wait3A_332 = tpu.memref_slice %arg8[%add3A, %dma_wait3A_330, %dma_wait3A_331] : memref<32x4x128xi32, #tpu.memory_space<hbm>> -> memref<1x4x128xi32, #tpu.memory_space<hbm>>
      %dma_wait3A_333 = tpu.memref_squeeze %dma_wait3A_332 : memref<1x4x128xi32, #tpu.memory_space<hbm>> -> memref<4x128xi32, #tpu.memory_space<hbm>>
      %dma_wait3A_334 = arith.constant 0 : i32
      %dma_wait3A_335 = arith.constant 0 : i32
      %dma_wait3A_336 = tpu.memref_slice %arg8[%add3A, %dma_wait3A_334, %dma_wait3A_335] : memref<32x4x128xi32, #tpu.memory_space<hbm>> -> memref<1x4x128xi32, #tpu.memory_space<hbm>>
      %dma_wait3A_337 = tpu.memref_squeeze %dma_wait3A_336 : memref<1x4x128xi32, #tpu.memory_space<hbm>> -> memref<4x128xi32, #tpu.memory_space<hbm>>
      tpu.wait_dma2 semaphore(%run_scoped3A : memref<!tpu.dma_semaphore, #tpu.memory_space<semaphore_mem>>) src(%dma_wait3A_337 : memref<4x128xi32, #tpu.memory_space<hbm>>) dst(%arg14 : memref<4x128xi32, #tpu.memory_space<vmem>>)
      tpu.yield
    }) : () -> ()
    %dma_start3A = arith.constant 0 : i32
    %dma_start3A_1 = arith.constant 0 : i32
    %dma_start3A_2 = tpu.memref_slice %arg10[%dma_start3A, %dma_start3A_1] : memref<4x128xi32, #tpu.memory_space<vmem>> -> memref<1x128xi32, #tpu.memory_space<vmem>>
    %dma_start3A_3 = tpu.memref_squeeze %dma_start3A_2 : memref<1x128xi32, #tpu.memory_space<vmem>> -> memref<128xi32, #tpu.memory_space<vmem>>
    %dma_start3A_4 = arith.constant 0 : i32
    %dma_start3A_5 = arith.constant 0 : i32
    %dma_start3A_6 = tpu.memref_slice %arg2[%dma_start3A_4, %dma_start3A_5] : memref<524288x128xf32, #tpu.memory_space<hbm>> -> memref<524288x128xf32, #tpu.memory_space<hbm>>
    tpu.enqueue_indirect_dma source(%dma_start3A_6 : memref<524288x128xf32, #tpu.memory_space<hbm>>) target(%arg15 : memref<128x128xf32, #tpu.memory_space<vmem>>) offsets(%dma_start3A_3 : memref<128xi32, #tpu.memory_space<vmem>>) semaphore(%arg21 : memref<!tpu.dma_semaphore, #tpu.memory_space<semaphore_mem>>)
    %dma_start3A_7 = arith.constant 0 : i32
    %dma_start3A_8 = arith.constant 0 : i32
    %dma_start3A_9 = tpu.memref_slice %arg11[%dma_start3A_7, %dma_start3A_8] : memref<4x128xi32, #tpu.memory_space<vmem>> -> memref<1x128xi32, #tpu.memory_space<vmem>>
    %dma_start3A_10 = tpu.memref_squeeze %dma_start3A_9 : memref<1x128xi32, #tpu.memory_space<vmem>> -> memref<128xi32, #tpu.memory_space<vmem>>
    %dma_start3A_11 = arith.constant 0 : i32
    %dma_start3A_12 = arith.constant 0 : i32
    %dma_start3A_13 = tpu.memref_slice %arg2[%dma_start3A_11, %dma_start3A_12] : memref<524288x128xf32, #tpu.memory_space<hbm>> -> memref<524288x128xf32, #tpu.memory_space<hbm>>
    tpu.enqueue_indirect_dma source(%dma_start3A_13 : memref<524288x128xf32, #tpu.memory_space<hbm>>) target(%arg16 : memref<128x128xf32, #tpu.memory_space<vmem>>) offsets(%dma_start3A_10 : memref<128xi32, #tpu.memory_space<vmem>>) semaphore(%arg21 : memref<!tpu.dma_semaphore, #tpu.memory_space<semaphore_mem>>)
    %dma_start3A_14 = arith.constant 0 : i32
    %dma_start3A_15 = arith.constant 0 : i32
    %dma_start3A_16 = tpu.memref_slice %arg12[%dma_start3A_14, %dma_start3A_15] : memref<4x128xi32, #tpu.memory_space<vmem>> -> memref<1x128xi32, #tpu.memory_space<vmem>>
    %dma_start3A_17 = tpu.memref_squeeze %dma_start3A_16 : memref<1x128xi32, #tpu.memory_space<vmem>> -> memref<128xi32, #tpu.memory_space<vmem>>
    %dma_start3A_18 = arith.constant 0 : i32
    %dma_start3A_19 = arith.constant 0 : i32
    %dma_start3A_20 = tpu.memref_slice %arg3[%dma_start3A_18, %dma_start3A_19] : memref<512x128xf32, #tpu.memory_space<hbm>> -> memref<512x128xf32, #tpu.memory_space<hbm>>
    tpu.enqueue_indirect_dma source(%dma_start3A_20 : memref<512x128xf32, #tpu.memory_space<hbm>>) target(%arg17 : memref<128x128xf32, #tpu.memory_space<vmem>>) offsets(%dma_start3A_17 : memref<128xi32, #tpu.memory_space<vmem>>) semaphore(%arg22 : memref<!tpu.dma_semaphore, #tpu.memory_space<semaphore_mem>>)
    %dma_start3A_21 = arith.constant 0 : i32
    %dma_start3A_22 = arith.constant 0 : i32
    %dma_start3A_23 = tpu.memref_slice %arg13[%dma_start3A_21, %dma_start3A_22] : memref<4x128xi32, #tpu.memory_space<vmem>> -> memref<1x128xi32, #tpu.memory_space<vmem>>
    %dma_start3A_24 = tpu.memref_squeeze %dma_start3A_23 : memref<1x128xi32, #tpu.memory_space<vmem>> -> memref<128xi32, #tpu.memory_space<vmem>>
    %dma_start3A_25 = arith.constant 0 : i32
    %dma_start3A_26 = arith.constant 0 : i32
    %dma_start3A_27 = tpu.memref_slice %arg2[%dma_start3A_25, %dma_start3A_26] : memref<524288x128xf32, #tpu.memory_space<hbm>> -> memref<524288x128xf32, #tpu.memory_space<hbm>>
    tpu.enqueue_indirect_dma source(%dma_start3A_27 : memref<524288x128xf32, #tpu.memory_space<hbm>>) target(%arg18 : memref<128x128xf32, #tpu.memory_space<vmem>>) offsets(%dma_start3A_24 : memref<128xi32, #tpu.memory_space<vmem>>) semaphore(%arg23 : memref<!tpu.dma_semaphore, #tpu.memory_space<semaphore_mem>>)
    %dma_start3A_28 = arith.constant 0 : i32
    %dma_start3A_29 = arith.constant 0 : i32
    %dma_start3A_30 = tpu.memref_slice %arg14[%dma_start3A_28, %dma_start3A_29] : memref<4x128xi32, #tpu.memory_space<vmem>> -> memref<1x128xi32, #tpu.memory_space<vmem>>
    %dma_start3A_31 = tpu.memref_squeeze %dma_start3A_30 : memref<1x128xi32, #tpu.memory_space<vmem>> -> memref<128xi32, #tpu.memory_space<vmem>>
    %dma_start3A_32 = arith.constant 0 : i32
    %dma_start3A_33 = arith.constant 0 : i32
    %dma_start3A_34 = tpu.memref_slice %arg2[%dma_start3A_32, %dma_start3A_33] : memref<524288x128xf32, #tpu.memory_space<hbm>> -> memref<524288x128xf32, #tpu.memory_space<hbm>>
    tpu.enqueue_indirect_dma source(%dma_start3A_34 : memref<524288x128xf32, #tpu.memory_space<hbm>>) target(%arg19 : memref<128x128xf32, #tpu.memory_space<vmem>>) offsets(%dma_start3A_31 : memref<128xi32, #tpu.memory_space<vmem>>) semaphore(%arg23 : memref<!tpu.dma_semaphore, #tpu.memory_space<semaphore_mem>>)
    %dma_wait3A = arith.constant 0 : i32
    %dma_wait3A_35 = arith.constant 0 : i32
    %dma_wait3A_36 = tpu.memref_slice %arg10[%dma_wait3A, %dma_wait3A_35] : memref<4x128xi32, #tpu.memory_space<vmem>> -> memref<1x128xi32, #tpu.memory_space<vmem>>
    %dma_wait3A_37 = tpu.memref_squeeze %dma_wait3A_36 : memref<1x128xi32, #tpu.memory_space<vmem>> -> memref<128xi32, #tpu.memory_space<vmem>>
    %dma_wait3A_38 = arith.constant 0 : i32
    %dma_wait3A_39 = arith.constant 0 : i32
    %dma_wait3A_40 = tpu.memref_slice %arg2[%dma_wait3A_38, %dma_wait3A_39] : memref<524288x128xf32, #tpu.memory_space<hbm>> -> memref<524288x128xf32, #tpu.memory_space<hbm>>
    tpu.wait_indirect_dma semaphore(%arg21 : memref<!tpu.dma_semaphore, #tpu.memory_space<semaphore_mem>>) src(%dma_wait3A_40 : memref<524288x128xf32, #tpu.memory_space<hbm>>) dst(%arg15 : memref<128x128xf32, #tpu.memory_space<vmem>>)
    %dma_wait3A_41 = arith.constant 0 : i32
    %dma_wait3A_42 = arith.constant 0 : i32
    %dma_wait3A_43 = tpu.memref_slice %arg11[%dma_wait3A_41, %dma_wait3A_42] : memref<4x128xi32, #tpu.memory_space<vmem>> -> memref<1x128xi32, #tpu.memory_space<vmem>>
    %dma_wait3A_44 = tpu.memref_squeeze %dma_wait3A_43 : memref<1x128xi32, #tpu.memory_space<vmem>> -> memref<128xi32, #tpu.memory_space<vmem>>
    %dma_wait3A_45 = arith.constant 0 : i32
    %dma_wait3A_46 = arith.constant 0 : i32
    %dma_wait3A_47 = tpu.memref_slice %arg2[%dma_wait3A_45, %dma_wait3A_46] : memref<524288x128xf32, #tpu.memory_space<hbm>> -> memref<524288x128xf32, #tpu.memory_space<hbm>>
    tpu.wait_indirect_dma semaphore(%arg21 : memref<!tpu.dma_semaphore, #tpu.memory_space<semaphore_mem>>) src(%dma_wait3A_47 : memref<524288x128xf32, #tpu.memory_space<hbm>>) dst(%arg16 : memref<128x128xf32, #tpu.memory_space<vmem>>)
    %dma_wait3A_48 = arith.constant 0 : i32
    %dma_wait3A_49 = arith.constant 0 : i32
    %dma_wait3A_50 = tpu.memref_slice %arg12[%dma_wait3A_48, %dma_wait3A_49] : memref<4x128xi32, #tpu.memory_space<vmem>> -> memref<1x128xi32, #tpu.memory_space<vmem>>
    %dma_wait3A_51 = tpu.memref_squeeze %dma_wait3A_50 : memref<1x128xi32, #tpu.memory_space<vmem>> -> memref<128xi32, #tpu.memory_space<vmem>>
    %dma_wait3A_52 = arith.constant 0 : i32
    %dma_wait3A_53 = arith.constant 0 : i32
    %dma_wait3A_54 = tpu.memref_slice %arg3[%dma_wait3A_52, %dma_wait3A_53] : memref<512x128xf32, #tpu.memory_space<hbm>> -> memref<512x128xf32, #tpu.memory_space<hbm>>
    tpu.wait_indirect_dma semaphore(%arg22 : memref<!tpu.dma_semaphore, #tpu.memory_space<semaphore_mem>>) src(%dma_wait3A_54 : memref<512x128xf32, #tpu.memory_space<hbm>>) dst(%arg17 : memref<128x128xf32, #tpu.memory_space<vmem>>)
    %dma_wait3A_55 = arith.constant 0 : i32
    %dma_wait3A_56 = arith.constant 0 : i32
    %dma_wait3A_57 = tpu.memref_slice %arg13[%dma_wait3A_55, %dma_wait3A_56] : memref<4x128xi32, #tpu.memory_space<vmem>> -> memref<1x128xi32, #tpu.memory_space<vmem>>
    %dma_wait3A_58 = tpu.memref_squeeze %dma_wait3A_57 : memref<1x128xi32, #tpu.memory_space<vmem>> -> memref<128xi32, #tpu.memory_space<vmem>>
    %dma_wait3A_59 = arith.constant 0 : i32
    %dma_wait3A_60 = arith.constant 0 : i32
    %dma_wait3A_61 = tpu.memref_slice %arg2[%dma_wait3A_59, %dma_wait3A_60] : memref<524288x128xf32, #tpu.memory_space<hbm>> -> memref<524288x128xf32, #tpu.memory_space<hbm>>
    tpu.wait_indirect_dma semaphore(%arg23 : memref<!tpu.dma_semaphore, #tpu.memory_space<semaphore_mem>>) src(%dma_wait3A_61 : memref<524288x128xf32, #tpu.memory_space<hbm>>) dst(%arg18 : memref<128x128xf32, #tpu.memory_space<vmem>>)
    %dma_wait3A_62 = arith.constant 0 : i32
    %dma_wait3A_63 = arith.constant 0 : i32
    %dma_wait3A_64 = tpu.memref_slice %arg14[%dma_wait3A_62, %dma_wait3A_63] : memref<4x128xi32, #tpu.memory_space<vmem>> -> memref<1x128xi32, #tpu.memory_space<vmem>>
    %dma_wait3A_65 = tpu.memref_squeeze %dma_wait3A_64 : memref<1x128xi32, #tpu.memory_space<vmem>> -> memref<128xi32, #tpu.memory_space<vmem>>
    %dma_wait3A_66 = arith.constant 0 : i32
    %dma_wait3A_67 = arith.constant 0 : i32
    %dma_wait3A_68 = tpu.memref_slice %arg2[%dma_wait3A_66, %dma_wait3A_67] : memref<524288x128xf32, #tpu.memory_space<hbm>> -> memref<524288x128xf32, #tpu.memory_space<hbm>>
    tpu.wait_indirect_dma semaphore(%arg23 : memref<!tpu.dma_semaphore, #tpu.memory_space<semaphore_mem>>) src(%dma_wait3A_68 : memref<524288x128xf32, #tpu.memory_space<hbm>>) dst(%arg19 : memref<128x128xf32, #tpu.memory_space<vmem>>)
    %scan3A = arith.constant 0 : i32
    %scan3A_69 = arith.constant 0 : i32
    %scan3A_70 = arith.constant 128 : i32
    %scan3A_71 = arith.addi %scan3A_69, %scan3A_70 : i32
    %scan3A_72 = arith.constant 1 : i32
    %scan3A_73 = scf.for %scan3A_322 = %scan3A_69 to %scan3A_71 step %scan3A_72 iter_args(%scan3A_323 = %scan3A) -> (i32)  : i32 {
      %broadcast_in_dim3A = arith.constant 0.000000e+00 : f32
      %broadcast_in_dim3A_324 = vector.broadcast %broadcast_in_dim3A : f32 to vector<16xf32>
      %get3A = arith.index_cast %scan3A_322 : i32 to index
      %get3A_325 = arith.constant 0 : index
      %get3A_326 = tpu.vector_load %arg15[%get3A, %get3A_325] {strides = array<i32>} : memref<128x128xf32, #tpu.memory_space<vmem>>, vector<1x16xf32>,
      %get3A_327 = vector.shape_cast %get3A_326 : vector<1x16xf32> to vector<16xf32>
      %get3A_328 = arith.index_cast %scan3A_322 : i32 to index
      %get3A_329 = arith.constant 64 : index
      %get3A_330 = tpu.vector_load %arg16[%get3A_328, %get3A_329] {strides = array<i32>} : memref<128x128xf32, #tpu.memory_space<vmem>>, vector<1x16xf32>,
      %get3A_331 = vector.shape_cast %get3A_330 : vector<1x16xf32> to vector<16xf32>
      %add3A_332 = arith.addf %get3A_327, %get3A_331 : vector<16xf32>
      %get3A_333 = arith.index_cast %scan3A_322 : i32 to index
      %get3A_334 = arith.constant 0 : index
      %get3A_335 = tpu.vector_load %arg18[%get3A_333, %get3A_334] {strides = array<i32>} : memref<128x128xf32, #tpu.memory_space<vmem>>, vector<1x16xf32>,
      %get3A_336 = vector.shape_cast %get3A_335 : vector<1x16xf32> to vector<16xf32>
      %get3A_337 = arith.index_cast %scan3A_322 : i32 to index
      %get3A_338 = arith.constant 64 : index
      %get3A_339 = tpu.vector_load %arg19[%get3A_337, %get3A_338] {strides = array<i32>} : memref<128x128xf32, #tpu.memory_space<vmem>>, vector<1x16xf32>,
      %get3A_340 = vector.shape_cast %get3A_339 : vector<1x16xf32> to vector<16xf32>
      %add3A_341 = arith.addf %get3A_336, %get3A_340 : vector<16xf32>
      %get3A_342 = arith.index_cast %scan3A_322 : i32 to index
      %get3A_343 = arith.constant 0 : index
      %get3A_344 = tpu.vector_load %arg17[%get3A_342, %get3A_343] {strides = array<i32>} : memref<128x128xf32, #tpu.memory_space<vmem>>, vector<1x16xf32>,
      %get3A_345 = vector.shape_cast %get3A_344 : vector<1x16xf32> to vector<16xf32>
      %mul3A_346 = arith.mulf %add3A_332, %get3A_345 : vector<16xf32>
      %mul3A_347 = arith.mulf %mul3A_346, %add3A_341 : vector<16xf32>
      %add3A_348 = arith.addf %broadcast_in_dim3A_324, %mul3A_347 : vector<16xf32>
      %get3A_349 = arith.index_cast %scan3A_322 : i32 to index
      %get3A_350 = arith.constant 16 : index
      %get3A_351 = tpu.vector_load %arg15[%get3A_349, %get3A_350] {strides = array<i32>} : memref<128x128xf32, #tpu.memory_space<vmem>>, vector<1x16xf32>,
      %get3A_352 = vector.shape_cast %get3A_351 : vector<1x16xf32> to vector<16xf32>
      %get3A_353 = arith.index_cast %scan3A_322 : i32 to index
      %get3A_354 = arith.constant 80 : index
      %get3A_355 = tpu.vector_load %arg16[%get3A_353, %get3A_354] {strides = array<i32>} : memref<128x128xf32, #tpu.memory_space<vmem>>, vector<1x16xf32>,
      %get3A_356 = vector.shape_cast %get3A_355 : vector<1x16xf32> to vector<16xf32>
      %add3A_357 = arith.addf %get3A_352, %get3A_356 : vector<16xf32>
      %get3A_358 = arith.index_cast %scan3A_322 : i32 to index
      %get3A_359 = arith.constant 16 : index
      %get3A_360 = tpu.vector_load %arg18[%get3A_358, %get3A_359] {strides = array<i32>} : memref<128x128xf32, #tpu.memory_space<vmem>>, vector<1x16xf32>,
      %get3A_361 = vector.shape_cast %get3A_360 : vector<1x16xf32> to vector<16xf32>
      %get3A_362 = arith.index_cast %scan3A_322 : i32 to index
      %get3A_363 = arith.constant 80 : index
      %get3A_364 = tpu.vector_load %arg19[%get3A_362, %get3A_363] {strides = array<i32>} : memref<128x128xf32, #tpu.memory_space<vmem>>, vector<1x16xf32>,
      %get3A_365 = vector.shape_cast %get3A_364 : vector<1x16xf32> to vector<16xf32>
      %add3A_366 = arith.addf %get3A_361, %get3A_365 : vector<16xf32>
      %get3A_367 = arith.index_cast %scan3A_322 : i32 to index
      %get3A_368 = arith.constant 16 : index
      %get3A_369 = tpu.vector_load %arg17[%get3A_367, %get3A_368] {strides = array<i32>} : memref<128x128xf32, #tpu.memory_space<vmem>>, vector<1x16xf32>,
      %get3A_370 = vector.shape_cast %get3A_369 : vector<1x16xf32> to vector<16xf32>
      %mul3A_371 = arith.mulf %add3A_357, %get3A_370 : vector<16xf32>
      %mul3A_372 = arith.mulf %mul3A_371, %add3A_366 : vector<16xf32>
      %add3A_373 = arith.addf %add3A_348, %mul3A_372 : vector<16xf32>
      %get3A_374 = arith.index_cast %scan3A_322 : i32 to index
      %get3A_375 = arith.constant 32 : index
      %get3A_376 = tpu.vector_load %arg15[%get3A_374, %get3A_375] {strides = array<i32>} : memref<128x128xf32, #tpu.memory_space<vmem>>, vector<1x16xf32>,
      %get3A_377 = vector.shape_cast %get3A_376 : vector<1x16xf32> to vector<16xf32>
      %get3A_378 = arith.index_cast %scan3A_322 : i32 to index
      %get3A_379 = arith.constant 96 : index
      %get3A_380 = tpu.vector_load %arg16[%get3A_378, %get3A_379] {strides = array<i32>} : memref<128x128xf32, #tpu.memory_space<vmem>>, vector<1x16xf32>,
      %get3A_381 = vector.shape_cast %get3A_380 : vector<1x16xf32> to vector<16xf32>
      %add3A_382 = arith.addf %get3A_377, %get3A_381 : vector<16xf32>
      %get3A_383 = arith.index_cast %scan3A_322 : i32 to index
      %get3A_384 = arith.constant 32 : index
      %get3A_385 = tpu.vector_load %arg18[%get3A_383, %get3A_384] {strides = array<i32>} : memref<128x128xf32, #tpu.memory_space<vmem>>, vector<1x16xf32>,
      %get3A_386 = vector.shape_cast %get3A_385 : vector<1x16xf32> to vector<16xf32>
      %get3A_387 = arith.index_cast %scan3A_322 : i32 to index
      %get3A_388 = arith.constant 96 : index
      %get3A_389 = tpu.vector_load %arg19[%get3A_387, %get3A_388] {strides = array<i32>} : memref<128x128xf32, #tpu.memory_space<vmem>>, vector<1x16xf32>,
      %get3A_390 = vector.shape_cast %get3A_389 : vector<1x16xf32> to vector<16xf32>
      %add3A_391 = arith.addf %get3A_386, %get3A_390 : vector<16xf32>
      %get3A_392 = arith.index_cast %scan3A_322 : i32 to index
      %get3A_393 = arith.constant 32 : index
      %get3A_394 = tpu.vector_load %arg17[%get3A_392, %get3A_393] {strides = array<i32>} : memref<128x128xf32, #tpu.memory_space<vmem>>, vector<1x16xf32>,
      %get3A_395 = vector.shape_cast %get3A_394 : vector<1x16xf32> to vector<16xf32>
      %mul3A_396 = arith.mulf %add3A_382, %get3A_395 : vector<16xf32>
      %mul3A_397 = arith.mulf %mul3A_396, %add3A_391 : vector<16xf32>
      %add3A_398 = arith.addf %add3A_373, %mul3A_397 : vector<16xf32>
      %get3A_399 = arith.index_cast %scan3A_322 : i32 to index
      %get3A_400 = arith.constant 48 : index
      %get3A_401 = tpu.vector_load %arg15[%get3A_399, %get3A_400] {strides = array<i32>} : memref<128x128xf32, #tpu.memory_space<vmem>>, vector<1x16xf32>,
      %get3A_402 = vector.shape_cast %get3A_401 : vector<1x16xf32> to vector<16xf32>
      %get3A_403 = arith.index_cast %scan3A_322 : i32 to index
      %get3A_404 = arith.constant 112 : index
      %get3A_405 = tpu.vector_load %arg16[%get3A_403, %get3A_404] {strides = array<i32>} : memref<128x128xf32, #tpu.memory_space<vmem>>, vector<1x16xf32>,
      %get3A_406 = vector.shape_cast %get3A_405 : vector<1x16xf32> to vector<16xf32>
      %add3A_407 = arith.addf %get3A_402, %get3A_406 : vector<16xf32>
      %get3A_408 = arith.index_cast %scan3A_322 : i32 to index
      %get3A_409 = arith.constant 48 : index
      %get3A_410 = tpu.vector_load %arg18[%get3A_408, %get3A_409] {strides = array<i32>} : memref<128x128xf32, #tpu.memory_space<vmem>>, vector<1x16xf32>,
      %get3A_411 = vector.shape_cast %get3A_410 : vector<1x16xf32> to vector<16xf32>
      %get3A_412 = arith.index_cast %scan3A_322 : i32 to index
      %get3A_413 = arith.constant 112 : index
      %get3A_414 = tpu.vector_load %arg19[%get3A_412, %get3A_413] {strides = array<i32>} : memref<128x128xf32, #tpu.memory_space<vmem>>, vector<1x16xf32>,
      %get3A_415 = vector.shape_cast %get3A_414 : vector<1x16xf32> to vector<16xf32>
      %add3A_416 = arith.addf %get3A_411, %get3A_415 : vector<16xf32>
      %get3A_417 = arith.index_cast %scan3A_322 : i32 to index
      %get3A_418 = arith.constant 48 : index
      %get3A_419 = tpu.vector_load %arg17[%get3A_417, %get3A_418] {strides = array<i32>} : memref<128x128xf32, #tpu.memory_space<vmem>>, vector<1x16xf32>,
      %get3A_420 = vector.shape_cast %get3A_419 : vector<1x16xf32> to vector<16xf32>
      %mul3A_421 = arith.mulf %add3A_407, %get3A_420 : vector<16xf32>
      %mul3A_422 = arith.mulf %mul3A_421, %add3A_416 : vector<16xf32>
      %add3A_423 = arith.addf %add3A_398, %mul3A_422 : vector<16xf32>
      %swap3A = arith.index_cast %scan3A_322 : i32 to index
      %swap3A_424 = arith.constant 0 : index
      %swap3A_425 = tpu.vector_load %arg20[%swap3A, %swap3A_424] {strides = array<i32>} : memref<128x16xf32, #tpu.memory_space<vmem>>, vector<1x16xf32>,
      %swap3A_426 = vector.shape_cast %swap3A_425 : vector<1x16xf32> to vector<16xf32>
      %swap3A_427 = vector.shape_cast %add3A_423 : vector<16xf32> to vector<1x16xf32>
      tpu.vector_store %arg20[%swap3A, %swap3A_424], %swap3A_427 {strides = array<i32>} : memref<128x16xf32, #tpu.memory_space<vmem>>, vector<1x16xf32>,
      %scan3A_428 = arith.constant 0 : i32
      scf.yield %scan3A_428 : i32
    }
    %scan3A_74 = arith.constant 128 : i32
    %mul3A_75 = arith.constant 512 : i32
    %mul3A_76 = arith.muli %add3A, %mul3A_75 : i32
    %add3A_77 = arith.constant 0 : i32
    %add3A_78 = arith.addi %mul3A_76, %add3A_77 : i32
    "tpu.region"() ({
      %run_scoped3A = tpu.sem_alloc : memref<!tpu.dma_semaphore, #tpu.memory_space<semaphore_mem>>
      %dma_start3A_322 = arith.constant 0 : i32
      %dma_start3A_323 = tpu.memref_slice %arg9[%add3A_78, %dma_start3A_322] : memref<16384x16xf32, #tpu.memory_space<hbm>> -> memref<128x16xf32, #tpu.memory_space<hbm>>
      %dma_start3A_324 = arith.constant 0 : i32
      %dma_start3A_325 = tpu.memref_slice %arg9[%add3A_78, %dma_start3A_324] : memref<16384x16xf32, #tpu.memory_space<hbm>> -> memref<128x16xf32, #tpu.memory_space<hbm>>
      tpu.enqueue_dma source(%arg20 : memref<128x16xf32, #tpu.memory_space<vmem>>) target(%dma_start3A_325 : memref<128x16xf32, #tpu.memory_space<hbm>>) target_semaphore(%run_scoped3A : memref<!tpu.dma_semaphore, #tpu.memory_space<semaphore_mem>>)
      %dma_wait3A_326 = arith.constant 0 : i32
      %dma_wait3A_327 = tpu.memref_slice %arg9[%add3A_78, %dma_wait3A_326] : memref<16384x16xf32, #tpu.memory_space<hbm>> -> memref<128x16xf32, #tpu.memory_space<hbm>>
      %dma_wait3A_328 = arith.constant 0 : i32
      %dma_wait3A_329 = tpu.memref_slice %arg9[%add3A_78, %dma_wait3A_328] : memref<16384x16xf32, #tpu.memory_space<hbm>> -> memref<128x16xf32, #tpu.memory_space<hbm>>
      tpu.wait_dma2 semaphore(%run_scoped3A : memref<!tpu.dma_semaphore, #tpu.memory_space<semaphore_mem>>) src(%arg20 : memref<128x16xf32, #tpu.memory_space<vmem>>) dst(%dma_wait3A_329 : memref<128x16xf32, #tpu.memory_space<hbm>>)
      tpu.yield
    }) : () -> ()
    %dma_start3A_79 = arith.constant 1 : i32
    %dma_start3A_80 = arith.constant 0 : i32
    %dma_start3A_81 = tpu.memref_slice %arg10[%dma_start3A_79, %dma_start3A_80] : memref<4x128xi32, #tpu.memory_space<vmem>> -> memref<1x128xi32, #tpu.memory_space<vmem>>
    %dma_start3A_82 = tpu.memref_squeeze %dma_start3A_81 : memref<1x128xi32, #tpu.memory_space<vmem>> -> memref<128xi32, #tpu.memory_space<vmem>>
    %dma_start3A_83 = arith.constant 0 : i32
    %dma_start3A_84 = arith.constant 0 : i32
    %dma_start3A_85 = tpu.memref_slice %arg2[%dma_start3A_83, %dma_start3A_84] : memref<524288x128xf32, #tpu.memory_space<hbm>> -> memref<524288x128xf32, #tpu.memory_space<hbm>>
    tpu.enqueue_indirect_dma source(%dma_start3A_85 : memref<524288x128xf32, #tpu.memory_space<hbm>>) target(%arg15 : memref<128x128xf32, #tpu.memory_space<vmem>>) offsets(%dma_start3A_82 : memref<128xi32, #tpu.memory_space<vmem>>) semaphore(%arg21 : memref<!tpu.dma_semaphore, #tpu.memory_space<semaphore_mem>>)
    %dma_start3A_86 = arith.constant 1 : i32
    %dma_start3A_87 = arith.constant 0 : i32
    %dma_start3A_88 = tpu.memref_slice %arg11[%dma_start3A_86, %dma_start3A_87] : memref<4x128xi32, #tpu.memory_space<vmem>> -> memref<1x128xi32, #tpu.memory_space<vmem>>
    %dma_start3A_89 = tpu.memref_squeeze %dma_start3A_88 : memref<1x128xi32, #tpu.memory_space<vmem>> -> memref<128xi32, #tpu.memory_space<vmem>>
    %dma_start3A_90 = arith.constant 0 : i32
    %dma_start3A_91 = arith.constant 0 : i32
    %dma_start3A_92 = tpu.memref_slice %arg2[%dma_start3A_90, %dma_start3A_91] : memref<524288x128xf32, #tpu.memory_space<hbm>> -> memref<524288x128xf32, #tpu.memory_space<hbm>>
    tpu.enqueue_indirect_dma source(%dma_start3A_92 : memref<524288x128xf32, #tpu.memory_space<hbm>>) target(%arg16 : memref<128x128xf32, #tpu.memory_space<vmem>>) offsets(%dma_start3A_89 : memref<128xi32, #tpu.memory_space<vmem>>) semaphore(%arg21 : memref<!tpu.dma_semaphore, #tpu.memory_space<semaphore_mem>>)
    %dma_start3A_93 = arith.constant 1 : i32
    %dma_start3A_94 = arith.constant 0 : i32
    %dma_start3A_95 = tpu.memref_slice %arg12[%dma_start3A_93, %dma_start3A_94] : memref<4x128xi32, #tpu.memory_space<vmem>> -> memref<1x128xi32, #tpu.memory_space<vmem>>
    %dma_start3A_96 = tpu.memref_squeeze %dma_start3A_95 : memref<1x128xi32, #tpu.memory_space<vmem>> -> memref<128xi32, #tpu.memory_space<vmem>>
    %dma_start3A_97 = arith.constant 0 : i32
    %dma_start3A_98 = arith.constant 0 : i32
    %dma_start3A_99 = tpu.memref_slice %arg3[%dma_start3A_97, %dma_start3A_98] : memref<512x128xf32, #tpu.memory_space<hbm>> -> memref<512x128xf32, #tpu.memory_space<hbm>>
    tpu.enqueue_indirect_dma source(%dma_start3A_99 : memref<512x128xf32, #tpu.memory_space<hbm>>) target(%arg17 : memref<128x128xf32, #tpu.memory_space<vmem>>) offsets(%dma_start3A_96 : memref<128xi32, #tpu.memory_space<vmem>>) semaphore(%arg22 : memref<!tpu.dma_semaphore, #tpu.memory_space<semaphore_mem>>)
    %dma_start3A_100 = arith.constant 1 : i32
    %dma_start3A_101 = arith.constant 0 : i32
    %dma_start3A_102 = tpu.memref_slice %arg13[%dma_start3A_100, %dma_start3A_101] : memref<4x128xi32, #tpu.memory_space<vmem>> -> memref<1x128xi32, #tpu.memory_space<vmem>>
    %dma_start3A_103 = tpu.memref_squeeze %dma_start3A_102 : memref<1x128xi32, #tpu.memory_space<vmem>> -> memref<128xi32, #tpu.memory_space<vmem>>
    %dma_start3A_104 = arith.constant 0 : i32
    %dma_start3A_105 = arith.constant 0 : i32
    %dma_start3A_106 = tpu.memref_slice %arg2[%dma_start3A_104, %dma_start3A_105] : memref<524288x128xf32, #tpu.memory_space<hbm>> -> memref<524288x128xf32, #tpu.memory_space<hbm>>
    tpu.enqueue_indirect_dma source(%dma_start3A_106 : memref<524288x128xf32, #tpu.memory_space<hbm>>) target(%arg18 : memref<128x128xf32, #tpu.memory_space<vmem>>) offsets(%dma_start3A_103 : memref<128xi32, #tpu.memory_space<vmem>>) semaphore(%arg23 : memref<!tpu.dma_semaphore, #tpu.memory_space<semaphore_mem>>)
    %dma_start3A_107 = arith.constant 1 : i32
    %dma_start3A_108 = arith.constant 0 : i32
    %dma_start3A_109 = tpu.memref_slice %arg14[%dma_start3A_107, %dma_start3A_108] : memref<4x128xi32, #tpu.memory_space<vmem>> -> memref<1x128xi32, #tpu.memory_space<vmem>>
    %dma_start3A_110 = tpu.memref_squeeze %dma_start3A_109 : memref<1x128xi32, #tpu.memory_space<vmem>> -> memref<128xi32, #tpu.memory_space<vmem>>
    %dma_start3A_111 = arith.constant 0 : i32
    %dma_start3A_112 = arith.constant 0 : i32
    %dma_start3A_113 = tpu.memref_slice %arg2[%dma_start3A_111, %dma_start3A_112] : memref<524288x128xf32, #tpu.memory_space<hbm>> -> memref<524288x128xf32, #tpu.memory_space<hbm>>
    tpu.enqueue_indirect_dma source(%dma_start3A_113 : memref<524288x128xf32, #tpu.memory_space<hbm>>) target(%arg19 : memref<128x128xf32, #tpu.memory_space<vmem>>) offsets(%dma_start3A_110 : memref<128xi32, #tpu.memory_space<vmem>>) semaphore(%arg23 : memref<!tpu.dma_semaphore, #tpu.memory_space<semaphore_mem>>)
    %dma_wait3A_114 = arith.constant 1 : i32
    %dma_wait3A_115 = arith.constant 0 : i32
    %dma_wait3A_116 = tpu.memref_slice %arg10[%dma_wait3A_114, %dma_wait3A_115] : memref<4x128xi32, #tpu.memory_space<vmem>> -> memref<1x128xi32, #tpu.memory_space<vmem>>
    %dma_wait3A_117 = tpu.memref_squeeze %dma_wait3A_116 : memref<1x128xi32, #tpu.memory_space<vmem>> -> memref<128xi32, #tpu.memory_space<vmem>>
    %dma_wait3A_118 = arith.constant 0 : i32
    %dma_wait3A_119 = arith.constant 0 : i32
    %dma_wait3A_120 = tpu.memref_slice %arg2[%dma_wait3A_118, %dma_wait3A_119] : memref<524288x128xf32, #tpu.memory_space<hbm>> -> memref<524288x128xf32, #tpu.memory_space<hbm>>
    tpu.wait_indirect_dma semaphore(%arg21 : memref<!tpu.dma_semaphore, #tpu.memory_space<semaphore_mem>>) src(%dma_wait3A_120 : memref<524288x128xf32, #tpu.memory_space<hbm>>) dst(%arg15 : memref<128x128xf32, #tpu.memory_space<vmem>>)
    %dma_wait3A_121 = arith.constant 1 : i32
    %dma_wait3A_122 = arith.constant 0 : i32
    %dma_wait3A_123 = tpu.memref_slice %arg11[%dma_wait3A_121, %dma_wait3A_122] : memref<4x128xi32, #tpu.memory_space<vmem>> -> memref<1x128xi32, #tpu.memory_space<vmem>>
    %dma_wait3A_124 = tpu.memref_squeeze %dma_wait3A_123 : memref<1x128xi32, #tpu.memory_space<vmem>> -> memref<128xi32, #tpu.memory_space<vmem>>
    %dma_wait3A_125 = arith.constant 0 : i32
    %dma_wait3A_126 = arith.constant 0 : i32
    %dma_wait3A_127 = tpu.memref_slice %arg2[%dma_wait3A_125, %dma_wait3A_126] : memref<524288x128xf32, #tpu.memory_space<hbm>> -> memref<524288x128xf32, #tpu.memory_space<hbm>>
    tpu.wait_indirect_dma semaphore(%arg21 : memref<!tpu.dma_semaphore, #tpu.memory_space<semaphore_mem>>) src(%dma_wait3A_127 : memref<524288x128xf32, #tpu.memory_space<hbm>>) dst(%arg16 : memref<128x128xf32, #tpu.memory_space<vmem>>)
    %dma_wait3A_128 = arith.constant 1 : i32
    %dma_wait3A_129 = arith.constant 0 : i32
    %dma_wait3A_130 = tpu.memref_slice %arg12[%dma_wait3A_128, %dma_wait3A_129] : memref<4x128xi32, #tpu.memory_space<vmem>> -> memref<1x128xi32, #tpu.memory_space<vmem>>
    %dma_wait3A_131 = tpu.memref_squeeze %dma_wait3A_130 : memref<1x128xi32, #tpu.memory_space<vmem>> -> memref<128xi32, #tpu.memory_space<vmem>>
    %dma_wait3A_132 = arith.constant 0 : i32
    %dma_wait3A_133 = arith.constant 0 : i32
    %dma_wait3A_134 = tpu.memref_slice %arg3[%dma_wait3A_132, %dma_wait3A_133] : memref<512x128xf32, #tpu.memory_space<hbm>> -> memref<512x128xf32, #tpu.memory_space<hbm>>
    tpu.wait_indirect_dma semaphore(%arg22 : memref<!tpu.dma_semaphore, #tpu.memory_space<semaphore_mem>>) src(%dma_wait3A_134 : memref<512x128xf32, #tpu.memory_space<hbm>>) dst(%arg17 : memref<128x128xf32, #tpu.memory_space<vmem>>)
    %dma_wait3A_135 = arith.constant 1 : i32
    %dma_wait3A_136 = arith.constant 0 : i32
    %dma_wait3A_137 = tpu.memref_slice %arg13[%dma_wait3A_135, %dma_wait3A_136] : memref<4x128xi32, #tpu.memory_space<vmem>> -> memref<1x128xi32, #tpu.memory_space<vmem>>
    %dma_wait3A_138 = tpu.memref_squeeze %dma_wait3A_137 : memref<1x128xi32, #tpu.memory_space<vmem>> -> memref<128xi32, #tpu.memory_space<vmem>>
    %dma_wait3A_139 = arith.constant 0 : i32
    %dma_wait3A_140 = arith.constant 0 : i32
    %dma_wait3A_141 = tpu.memref_slice %arg2[%dma_wait3A_139, %dma_wait3A_140] : memref<524288x128xf32, #tpu.memory_space<hbm>> -> memref<524288x128xf32, #tpu.memory_space<hbm>>
    tpu.wait_indirect_dma semaphore(%arg23 : memref<!tpu.dma_semaphore, #tpu.memory_space<semaphore_mem>>) src(%dma_wait3A_141 : memref<524288x128xf32, #tpu.memory_space<hbm>>) dst(%arg18 : memref<128x128xf32, #tpu.memory_space<vmem>>)
    %dma_wait3A_142 = arith.constant 1 : i32
    %dma_wait3A_143 = arith.constant 0 : i32
    %dma_wait3A_144 = tpu.memref_slice %arg14[%dma_wait3A_142, %dma_wait3A_143] : memref<4x128xi32, #tpu.memory_space<vmem>> -> memref<1x128xi32, #tpu.memory_space<vmem>>
    %dma_wait3A_145 = tpu.memref_squeeze %dma_wait3A_144 : memref<1x128xi32, #tpu.memory_space<vmem>> -> memref<128xi32, #tpu.memory_space<vmem>>
    %dma_wait3A_146 = arith.constant 0 : i32
    %dma_wait3A_147 = arith.constant 0 : i32
    %dma_wait3A_148 = tpu.memref_slice %arg2[%dma_wait3A_146, %dma_wait3A_147] : memref<524288x128xf32, #tpu.memory_space<hbm>> -> memref<524288x128xf32, #tpu.memory_space<hbm>>
    tpu.wait_indirect_dma semaphore(%arg23 : memref<!tpu.dma_semaphore, #tpu.memory_space<semaphore_mem>>) src(%dma_wait3A_148 : memref<524288x128xf32, #tpu.memory_space<hbm>>) dst(%arg19 : memref<128x128xf32, #tpu.memory_space<vmem>>)
    %scan3A_149 = arith.constant 0 : i32
    %scan3A_150 = arith.constant 0 : i32
    %scan3A_151 = arith.constant 128 : i32
    %scan3A_152 = arith.addi %scan3A_150, %scan3A_151 : i32
    %scan3A_153 = arith.constant 1 : i32
    %scan3A_154 = scf.for %scan3A_322 = %scan3A_150 to %scan3A_152 step %scan3A_153 iter_args(%scan3A_323 = %scan3A_149) -> (i32)  : i32 {
      %broadcast_in_dim3A = arith.constant 0.000000e+00 : f32
      %broadcast_in_dim3A_324 = vector.broadcast %broadcast_in_dim3A : f32 to vector<16xf32>
      %get3A = arith.index_cast %scan3A_322 : i32 to index
      %get3A_325 = arith.constant 0 : index
      %get3A_326 = tpu.vector_load %arg15[%get3A, %get3A_325] {strides = array<i32>} : memref<128x128xf32, #tpu.memory_space<vmem>>, vector<1x16xf32>,
      %get3A_327 = vector.shape_cast %get3A_326 : vector<1x16xf32> to vector<16xf32>
      %get3A_328 = arith.index_cast %scan3A_322 : i32 to index
      %get3A_329 = arith.constant 64 : index
      %get3A_330 = tpu.vector_load %arg16[%get3A_328, %get3A_329] {strides = array<i32>} : memref<128x128xf32, #tpu.memory_space<vmem>>, vector<1x16xf32>,
      %get3A_331 = vector.shape_cast %get3A_330 : vector<1x16xf32> to vector<16xf32>
      %add3A_332 = arith.addf %get3A_327, %get3A_331 : vector<16xf32>
      %get3A_333 = arith.index_cast %scan3A_322 : i32 to index
      %get3A_334 = arith.constant 0 : index
      %get3A_335 = tpu.vector_load %arg18[%get3A_333, %get3A_334] {strides = array<i32>} : memref<128x128xf32, #tpu.memory_space<vmem>>, vector<1x16xf32>,
      %get3A_336 = vector.shape_cast %get3A_335 : vector<1x16xf32> to vector<16xf32>
      %get3A_337 = arith.index_cast %scan3A_322 : i32 to index
      %get3A_338 = arith.constant 64 : index
      %get3A_339 = tpu.vector_load %arg19[%get3A_337, %get3A_338] {strides = array<i32>} : memref<128x128xf32, #tpu.memory_space<vmem>>, vector<1x16xf32>,
      %get3A_340 = vector.shape_cast %get3A_339 : vector<1x16xf32> to vector<16xf32>
      %add3A_341 = arith.addf %get3A_336, %get3A_340 : vector<16xf32>
      %get3A_342 = arith.index_cast %scan3A_322 : i32 to index
      %get3A_343 = arith.constant 0 : index
      %get3A_344 = tpu.vector_load %arg17[%get3A_342, %get3A_343] {strides = array<i32>} : memref<128x128xf32, #tpu.memory_space<vmem>>, vector<1x16xf32>,
      %get3A_345 = vector.shape_cast %get3A_344 : vector<1x16xf32> to vector<16xf32>
      %mul3A_346 = arith.mulf %add3A_332, %get3A_345 : vector<16xf32>
      %mul3A_347 = arith.mulf %mul3A_346, %add3A_341 : vector<16xf32>
      %add3A_348 = arith.addf %broadcast_in_dim3A_324, %mul3A_347 : vector<16xf32>
      %get3A_349 = arith.index_cast %scan3A_322 : i32 to index
      %get3A_350 = arith.constant 16 : index
      %get3A_351 = tpu.vector_load %arg15[%get3A_349, %get3A_350] {strides = array<i32>} : memref<128x128xf32, #tpu.memory_space<vmem>>, vector<1x16xf32>,
      %get3A_352 = vector.shape_cast %get3A_351 : vector<1x16xf32> to vector<16xf32>
      %get3A_353 = arith.index_cast %scan3A_322 : i32 to index
      %get3A_354 = arith.constant 80 : index
      %get3A_355 = tpu.vector_load %arg16[%get3A_353, %get3A_354] {strides = array<i32>} : memref<128x128xf32, #tpu.memory_space<vmem>>, vector<1x16xf32>,
      %get3A_356 = vector.shape_cast %get3A_355 : vector<1x16xf32> to vector<16xf32>
      %add3A_357 = arith.addf %get3A_352, %get3A_356 : vector<16xf32>
      %get3A_358 = arith.index_cast %scan3A_322 : i32 to index
      %get3A_359 = arith.constant 16 : index
      %get3A_360 = tpu.vector_load %arg18[%get3A_358, %get3A_359] {strides = array<i32>} : memref<128x128xf32, #tpu.memory_space<vmem>>, vector<1x16xf32>,
      %get3A_361 = vector.shape_cast %get3A_360 : vector<1x16xf32> to vector<16xf32>
      %get3A_362 = arith.index_cast %scan3A_322 : i32 to index
      %get3A_363 = arith.constant 80 : index
      %get3A_364 = tpu.vector_load %arg19[%get3A_362, %get3A_363] {strides = array<i32>} : memref<128x128xf32, #tpu.memory_space<vmem>>, vector<1x16xf32>,
      %get3A_365 = vector.shape_cast %get3A_364 : vector<1x16xf32> to vector<16xf32>
      %add3A_366 = arith.addf %get3A_361, %get3A_365 : vector<16xf32>
      %get3A_367 = arith.index_cast %scan3A_322 : i32 to index
      %get3A_368 = arith.constant 16 : index
      %get3A_369 = tpu.vector_load %arg17[%get3A_367, %get3A_368] {strides = array<i32>} : memref<128x128xf32, #tpu.memory_space<vmem>>, vector<1x16xf32>,
      %get3A_370 = vector.shape_cast %get3A_369 : vector<1x16xf32> to vector<16xf32>
      %mul3A_371 = arith.mulf %add3A_357, %get3A_370 : vector<16xf32>
      %mul3A_372 = arith.mulf %mul3A_371, %add3A_366 : vector<16xf32>
      %add3A_373 = arith.addf %add3A_348, %mul3A_372 : vector<16xf32>
      %get3A_374 = arith.index_cast %scan3A_322 : i32 to index
      %get3A_375 = arith.constant 32 : index
      %get3A_376 = tpu.vector_load %arg15[%get3A_374, %get3A_375] {strides = array<i32>} : memref<128x128xf32, #tpu.memory_space<vmem>>, vector<1x16xf32>,
      %get3A_377 = vector.shape_cast %get3A_376 : vector<1x16xf32> to vector<16xf32>
      %get3A_378 = arith.index_cast %scan3A_322 : i32 to index
      %get3A_379 = arith.constant 96 : index
      %get3A_380 = tpu.vector_load %arg16[%get3A_378, %get3A_379] {strides = array<i32>} : memref<128x128xf32, #tpu.memory_space<vmem>>, vector<1x16xf32>,
      %get3A_381 = vector.shape_cast %get3A_380 : vector<1x16xf32> to vector<16xf32>
      %add3A_382 = arith.addf %get3A_377, %get3A_381 : vector<16xf32>
      %get3A_383 = arith.index_cast %scan3A_322 : i32 to index
      %get3A_384 = arith.constant 32 : index
      %get3A_385 = tpu.vector_load %arg18[%get3A_383, %get3A_384] {strides = array<i32>} : memref<128x128xf32, #tpu.memory_space<vmem>>, vector<1x16xf32>,
      %get3A_386 = vector.shape_cast %get3A_385 : vector<1x16xf32> to vector<16xf32>
      %get3A_387 = arith.index_cast %scan3A_322 : i32 to index
      %get3A_388 = arith.constant 96 : index
      %get3A_389 = tpu.vector_load %arg19[%get3A_387, %get3A_388] {strides = array<i32>} : memref<128x128xf32, #tpu.memory_space<vmem>>, vector<1x16xf32>,
      %get3A_390 = vector.shape_cast %get3A_389 : vector<1x16xf32> to vector<16xf32>
      %add3A_391 = arith.addf %get3A_386, %get3A_390 : vector<16xf32>
      %get3A_392 = arith.index_cast %scan3A_322 : i32 to index
      %get3A_393 = arith.constant 32 : index
      %get3A_394 = tpu.vector_load %arg17[%get3A_392, %get3A_393] {strides = array<i32>} : memref<128x128xf32, #tpu.memory_space<vmem>>, vector<1x16xf32>,
      %get3A_395 = vector.shape_cast %get3A_394 : vector<1x16xf32> to vector<16xf32>
      %mul3A_396 = arith.mulf %add3A_382, %get3A_395 : vector<16xf32>
      %mul3A_397 = arith.mulf %mul3A_396, %add3A_391 : vector<16xf32>
      %add3A_398 = arith.addf %add3A_373, %mul3A_397 : vector<16xf32>
      %get3A_399 = arith.index_cast %scan3A_322 : i32 to index
      %get3A_400 = arith.constant 48 : index
      %get3A_401 = tpu.vector_load %arg15[%get3A_399, %get3A_400] {strides = array<i32>} : memref<128x128xf32, #tpu.memory_space<vmem>>, vector<1x16xf32>,
      %get3A_402 = vector.shape_cast %get3A_401 : vector<1x16xf32> to vector<16xf32>
      %get3A_403 = arith.index_cast %scan3A_322 : i32 to index
      %get3A_404 = arith.constant 112 : index
      %get3A_405 = tpu.vector_load %arg16[%get3A_403, %get3A_404] {strides = array<i32>} : memref<128x128xf32, #tpu.memory_space<vmem>>, vector<1x16xf32>,
      %get3A_406 = vector.shape_cast %get3A_405 : vector<1x16xf32> to vector<16xf32>
      %add3A_407 = arith.addf %get3A_402, %get3A_406 : vector<16xf32>
      %get3A_408 = arith.index_cast %scan3A_322 : i32 to index
      %get3A_409 = arith.constant 48 : index
      %get3A_410 = tpu.vector_load %arg18[%get3A_408, %get3A_409] {strides = array<i32>} : memref<128x128xf32, #tpu.memory_space<vmem>>, vector<1x16xf32>,
      %get3A_411 = vector.shape_cast %get3A_410 : vector<1x16xf32> to vector<16xf32>
      %get3A_412 = arith.index_cast %scan3A_322 : i32 to index
      %get3A_413 = arith.constant 112 : index
      %get3A_414 = tpu.vector_load %arg19[%get3A_412, %get3A_413] {strides = array<i32>} : memref<128x128xf32, #tpu.memory_space<vmem>>, vector<1x16xf32>,
      %get3A_415 = vector.shape_cast %get3A_414 : vector<1x16xf32> to vector<16xf32>
      %add3A_416 = arith.addf %get3A_411, %get3A_415 : vector<16xf32>
      %get3A_417 = arith.index_cast %scan3A_322 : i32 to index
      %get3A_418 = arith.constant 48 : index
      %get3A_419 = tpu.vector_load %arg17[%get3A_417, %get3A_418] {strides = array<i32>} : memref<128x128xf32, #tpu.memory_space<vmem>>, vector<1x16xf32>,
      %get3A_420 = vector.shape_cast %get3A_419 : vector<1x16xf32> to vector<16xf32>
      %mul3A_421 = arith.mulf %add3A_407, %get3A_420 : vector<16xf32>
      %mul3A_422 = arith.mulf %mul3A_421, %add3A_416 : vector<16xf32>
      %add3A_423 = arith.addf %add3A_398, %mul3A_422 : vector<16xf32>
      %swap3A = arith.index_cast %scan3A_322 : i32 to index
      %swap3A_424 = arith.constant 0 : index
      %swap3A_425 = tpu.vector_load %arg20[%swap3A, %swap3A_424] {strides = array<i32>} : memref<128x16xf32, #tpu.memory_space<vmem>>, vector<1x16xf32>,
      %swap3A_426 = vector.shape_cast %swap3A_425 : vector<1x16xf32> to vector<16xf32>
      %swap3A_427 = vector.shape_cast %add3A_423 : vector<16xf32> to vector<1x16xf32>
      tpu.vector_store %arg20[%swap3A, %swap3A_424], %swap3A_427 {strides = array<i32>} : memref<128x16xf32, #tpu.memory_space<vmem>>, vector<1x16xf32>,
      %scan3A_428 = arith.constant 0 : i32
      scf.yield %scan3A_428 : i32
    }
    %scan3A_155 = arith.constant 128 : i32
    %mul3A_156 = arith.constant 512 : i32
    %mul3A_157 = arith.muli %add3A, %mul3A_156 : i32
    %add3A_158 = arith.constant 128 : i32
    %add3A_159 = arith.addi %mul3A_157, %add3A_158 : i32
    "tpu.region"() ({
      %run_scoped3A = tpu.sem_alloc : memref<!tpu.dma_semaphore, #tpu.memory_space<semaphore_mem>>
      %dma_start3A_322 = arith.constant 0 : i32
      %dma_start3A_323 = tpu.memref_slice %arg9[%add3A_159, %dma_start3A_322] : memref<16384x16xf32, #tpu.memory_space<hbm>> -> memref<128x16xf32, #tpu.memory_space<hbm>>
      %dma_start3A_324 = arith.constant 0 : i32
      %dma_start3A_325 = tpu.memref_slice %arg9[%add3A_159, %dma_start3A_324] : memref<16384x16xf32, #tpu.memory_space<hbm>> -> memref<128x16xf32, #tpu.memory_space<hbm>>
      tpu.enqueue_dma source(%arg20 : memref<128x16xf32, #tpu.memory_space<vmem>>) target(%dma_start3A_325 : memref<128x16xf32, #tpu.memory_space<hbm>>) target_semaphore(%run_scoped3A : memref<!tpu.dma_semaphore, #tpu.memory_space<semaphore_mem>>)
      %dma_wait3A_326 = arith.constant 0 : i32
      %dma_wait3A_327 = tpu.memref_slice %arg9[%add3A_159, %dma_wait3A_326] : memref<16384x16xf32, #tpu.memory_space<hbm>> -> memref<128x16xf32, #tpu.memory_space<hbm>>
      %dma_wait3A_328 = arith.constant 0 : i32
      %dma_wait3A_329 = tpu.memref_slice %arg9[%add3A_159, %dma_wait3A_328] : memref<16384x16xf32, #tpu.memory_space<hbm>> -> memref<128x16xf32, #tpu.memory_space<hbm>>
      tpu.wait_dma2 semaphore(%run_scoped3A : memref<!tpu.dma_semaphore, #tpu.memory_space<semaphore_mem>>) src(%arg20 : memref<128x16xf32, #tpu.memory_space<vmem>>) dst(%dma_wait3A_329 : memref<128x16xf32, #tpu.memory_space<hbm>>)
      tpu.yield
    }) : () -> ()
    %dma_start3A_160 = arith.constant 2 : i32
    %dma_start3A_161 = arith.constant 0 : i32
    %dma_start3A_162 = tpu.memref_slice %arg10[%dma_start3A_160, %dma_start3A_161] : memref<4x128xi32, #tpu.memory_space<vmem>> -> memref<1x128xi32, #tpu.memory_space<vmem>>
    %dma_start3A_163 = tpu.memref_squeeze %dma_start3A_162 : memref<1x128xi32, #tpu.memory_space<vmem>> -> memref<128xi32, #tpu.memory_space<vmem>>
    %dma_start3A_164 = arith.constant 0 : i32
    %dma_start3A_165 = arith.constant 0 : i32
    %dma_start3A_166 = tpu.memref_slice %arg2[%dma_start3A_164, %dma_start3A_165] : memref<524288x128xf32, #tpu.memory_space<hbm>> -> memref<524288x128xf32, #tpu.memory_space<hbm>>
    tpu.enqueue_indirect_dma source(%dma_start3A_166 : memref<524288x128xf32, #tpu.memory_space<hbm>>) target(%arg15 : memref<128x128xf32, #tpu.memory_space<vmem>>) offsets(%dma_start3A_163 : memref<128xi32, #tpu.memory_space<vmem>>) semaphore(%arg21 : memref<!tpu.dma_semaphore, #tpu.memory_space<semaphore_mem>>)
    %dma_start3A_167 = arith.constant 2 : i32
    %dma_start3A_168 = arith.constant 0 : i32
    %dma_start3A_169 = tpu.memref_slice %arg11[%dma_start3A_167, %dma_start3A_168] : memref<4x128xi32, #tpu.memory_space<vmem>> -> memref<1x128xi32, #tpu.memory_space<vmem>>
    %dma_start3A_170 = tpu.memref_squeeze %dma_start3A_169 : memref<1x128xi32, #tpu.memory_space<vmem>> -> memref<128xi32, #tpu.memory_space<vmem>>
    %dma_start3A_171 = arith.constant 0 : i32
    %dma_start3A_172 = arith.constant 0 : i32
    %dma_start3A_173 = tpu.memref_slice %arg2[%dma_start3A_171, %dma_start3A_172] : memref<524288x128xf32, #tpu.memory_space<hbm>> -> memref<524288x128xf32, #tpu.memory_space<hbm>>
    tpu.enqueue_indirect_dma source(%dma_start3A_173 : memref<524288x128xf32, #tpu.memory_space<hbm>>) target(%arg16 : memref<128x128xf32, #tpu.memory_space<vmem>>) offsets(%dma_start3A_170 : memref<128xi32, #tpu.memory_space<vmem>>) semaphore(%arg21 : memref<!tpu.dma_semaphore, #tpu.memory_space<semaphore_mem>>)
    %dma_start3A_174 = arith.constant 2 : i32
    %dma_start3A_175 = arith.constant 0 : i32
    %dma_start3A_176 = tpu.memref_slice %arg12[%dma_start3A_174, %dma_start3A_175] : memref<4x128xi32, #tpu.memory_space<vmem>> -> memref<1x128xi32, #tpu.memory_space<vmem>>
    %dma_start3A_177 = tpu.memref_squeeze %dma_start3A_176 : memref<1x128xi32, #tpu.memory_space<vmem>> -> memref<128xi32, #tpu.memory_space<vmem>>
    %dma_start3A_178 = arith.constant 0 : i32
    %dma_start3A_179 = arith.constant 0 : i32
    %dma_start3A_180 = tpu.memref_slice %arg3[%dma_start3A_178, %dma_start3A_179] : memref<512x128xf32, #tpu.memory_space<hbm>> -> memref<512x128xf32, #tpu.memory_space<hbm>>
    tpu.enqueue_indirect_dma source(%dma_start3A_180 : memref<512x128xf32, #tpu.memory_space<hbm>>) target(%arg17 : memref<128x128xf32, #tpu.memory_space<vmem>>) offsets(%dma_start3A_177 : memref<128xi32, #tpu.memory_space<vmem>>) semaphore(%arg22 : memref<!tpu.dma_semaphore, #tpu.memory_space<semaphore_mem>>)
    %dma_start3A_181 = arith.constant 2 : i32
    %dma_start3A_182 = arith.constant 0 : i32
    %dma_start3A_183 = tpu.memref_slice %arg13[%dma_start3A_181, %dma_start3A_182] : memref<4x128xi32, #tpu.memory_space<vmem>> -> memref<1x128xi32, #tpu.memory_space<vmem>>
    %dma_start3A_184 = tpu.memref_squeeze %dma_start3A_183 : memref<1x128xi32, #tpu.memory_space<vmem>> -> memref<128xi32, #tpu.memory_space<vmem>>
    %dma_start3A_185 = arith.constant 0 : i32
    %dma_start3A_186 = arith.constant 0 : i32
    %dma_start3A_187 = tpu.memref_slice %arg2[%dma_start3A_185, %dma_start3A_186] : memref<524288x128xf32, #tpu.memory_space<hbm>> -> memref<524288x128xf32, #tpu.memory_space<hbm>>
    tpu.enqueue_indirect_dma source(%dma_start3A_187 : memref<524288x128xf32, #tpu.memory_space<hbm>>) target(%arg18 : memref<128x128xf32, #tpu.memory_space<vmem>>) offsets(%dma_start3A_184 : memref<128xi32, #tpu.memory_space<vmem>>) semaphore(%arg23 : memref<!tpu.dma_semaphore, #tpu.memory_space<semaphore_mem>>)
    %dma_start3A_188 = arith.constant 2 : i32
    %dma_start3A_189 = arith.constant 0 : i32
    %dma_start3A_190 = tpu.memref_slice %arg14[%dma_start3A_188, %dma_start3A_189] : memref<4x128xi32, #tpu.memory_space<vmem>> -> memref<1x128xi32, #tpu.memory_space<vmem>>
    %dma_start3A_191 = tpu.memref_squeeze %dma_start3A_190 : memref<1x128xi32, #tpu.memory_space<vmem>> -> memref<128xi32, #tpu.memory_space<vmem>>
    %dma_start3A_192 = arith.constant 0 : i32
    %dma_start3A_193 = arith.constant 0 : i32
    %dma_start3A_194 = tpu.memref_slice %arg2[%dma_start3A_192, %dma_start3A_193] : memref<524288x128xf32, #tpu.memory_space<hbm>> -> memref<524288x128xf32, #tpu.memory_space<hbm>>
    tpu.enqueue_indirect_dma source(%dma_start3A_194 : memref<524288x128xf32, #tpu.memory_space<hbm>>) target(%arg19 : memref<128x128xf32, #tpu.memory_space<vmem>>) offsets(%dma_start3A_191 : memref<128xi32, #tpu.memory_space<vmem>>) semaphore(%arg23 : memref<!tpu.dma_semaphore, #tpu.memory_space<semaphore_mem>>)
    %dma_wait3A_195 = arith.constant 2 : i32
    %dma_wait3A_196 = arith.constant 0 : i32
    %dma_wait3A_197 = tpu.memref_slice %arg10[%dma_wait3A_195, %dma_wait3A_196] : memref<4x128xi32, #tpu.memory_space<vmem>> -> memref<1x128xi32, #tpu.memory_space<vmem>>
    %dma_wait3A_198 = tpu.memref_squeeze %dma_wait3A_197 : memref<1x128xi32, #tpu.memory_space<vmem>> -> memref<128xi32, #tpu.memory_space<vmem>>
    %dma_wait3A_199 = arith.constant 0 : i32
    %dma_wait3A_200 = arith.constant 0 : i32
    %dma_wait3A_201 = tpu.memref_slice %arg2[%dma_wait3A_199, %dma_wait3A_200] : memref<524288x128xf32, #tpu.memory_space<hbm>> -> memref<524288x128xf32, #tpu.memory_space<hbm>>
    tpu.wait_indirect_dma semaphore(%arg21 : memref<!tpu.dma_semaphore, #tpu.memory_space<semaphore_mem>>) src(%dma_wait3A_201 : memref<524288x128xf32, #tpu.memory_space<hbm>>) dst(%arg15 : memref<128x128xf32, #tpu.memory_space<vmem>>)
    %dma_wait3A_202 = arith.constant 2 : i32
    %dma_wait3A_203 = arith.constant 0 : i32
    %dma_wait3A_204 = tpu.memref_slice %arg11[%dma_wait3A_202, %dma_wait3A_203] : memref<4x128xi32, #tpu.memory_space<vmem>> -> memref<1x128xi32, #tpu.memory_space<vmem>>
    %dma_wait3A_205 = tpu.memref_squeeze %dma_wait3A_204 : memref<1x128xi32, #tpu.memory_space<vmem>> -> memref<128xi32, #tpu.memory_space<vmem>>
    %dma_wait3A_206 = arith.constant 0 : i32
    %dma_wait3A_207 = arith.constant 0 : i32
    %dma_wait3A_208 = tpu.memref_slice %arg2[%dma_wait3A_206, %dma_wait3A_207] : memref<524288x128xf32, #tpu.memory_space<hbm>> -> memref<524288x128xf32, #tpu.memory_space<hbm>>
    tpu.wait_indirect_dma semaphore(%arg21 : memref<!tpu.dma_semaphore, #tpu.memory_space<semaphore_mem>>) src(%dma_wait3A_208 : memref<524288x128xf32, #tpu.memory_space<hbm>>) dst(%arg16 : memref<128x128xf32, #tpu.memory_space<vmem>>)
    %dma_wait3A_209 = arith.constant 2 : i32
    %dma_wait3A_210 = arith.constant 0 : i32
    %dma_wait3A_211 = tpu.memref_slice %arg12[%dma_wait3A_209, %dma_wait3A_210] : memref<4x128xi32, #tpu.memory_space<vmem>> -> memref<1x128xi32, #tpu.memory_space<vmem>>
    %dma_wait3A_212 = tpu.memref_squeeze %dma_wait3A_211 : memref<1x128xi32, #tpu.memory_space<vmem>> -> memref<128xi32, #tpu.memory_space<vmem>>
    %dma_wait3A_213 = arith.constant 0 : i32
    %dma_wait3A_214 = arith.constant 0 : i32
    %dma_wait3A_215 = tpu.memref_slice %arg3[%dma_wait3A_213, %dma_wait3A_214] : memref<512x128xf32, #tpu.memory_space<hbm>> -> memref<512x128xf32, #tpu.memory_space<hbm>>
    tpu.wait_indirect_dma semaphore(%arg22 : memref<!tpu.dma_semaphore, #tpu.memory_space<semaphore_mem>>) src(%dma_wait3A_215 : memref<512x128xf32, #tpu.memory_space<hbm>>) dst(%arg17 : memref<128x128xf32, #tpu.memory_space<vmem>>)
    %dma_wait3A_216 = arith.constant 2 : i32
    %dma_wait3A_217 = arith.constant 0 : i32
    %dma_wait3A_218 = tpu.memref_slice %arg13[%dma_wait3A_216, %dma_wait3A_217] : memref<4x128xi32, #tpu.memory_space<vmem>> -> memref<1x128xi32, #tpu.memory_space<vmem>>
    %dma_wait3A_219 = tpu.memref_squeeze %dma_wait3A_218 : memref<1x128xi32, #tpu.memory_space<vmem>> -> memref<128xi32, #tpu.memory_space<vmem>>
    %dma_wait3A_220 = arith.constant 0 : i32
    %dma_wait3A_221 = arith.constant 0 : i32
    %dma_wait3A_222 = tpu.memref_slice %arg2[%dma_wait3A_220, %dma_wait3A_221] : memref<524288x128xf32, #tpu.memory_space<hbm>> -> memref<524288x128xf32, #tpu.memory_space<hbm>>
    tpu.wait_indirect_dma semaphore(%arg23 : memref<!tpu.dma_semaphore, #tpu.memory_space<semaphore_mem>>) src(%dma_wait3A_222 : memref<524288x128xf32, #tpu.memory_space<hbm>>) dst(%arg18 : memref<128x128xf32, #tpu.memory_space<vmem>>)
    %dma_wait3A_223 = arith.constant 2 : i32
    %dma_wait3A_224 = arith.constant 0 : i32
    %dma_wait3A_225 = tpu.memref_slice %arg14[%dma_wait3A_223, %dma_wait3A_224] : memref<4x128xi32, #tpu.memory_space<vmem>> -> memref<1x128xi32, #tpu.memory_space<vmem>>
    %dma_wait3A_226 = tpu.memref_squeeze %dma_wait3A_225 : memref<1x128xi32, #tpu.memory_space<vmem>> -> memref<128xi32, #tpu.memory_space<vmem>>
    %dma_wait3A_227 = arith.constant 0 : i32
    %dma_wait3A_228 = arith.constant 0 : i32
    %dma_wait3A_229 = tpu.memref_slice %arg2[%dma_wait3A_227, %dma_wait3A_228] : memref<524288x128xf32, #tpu.memory_space<hbm>> -> memref<524288x128xf32, #tpu.memory_space<hbm>>
    tpu.wait_indirect_dma semaphore(%arg23 : memref<!tpu.dma_semaphore, #tpu.memory_space<semaphore_mem>>) src(%dma_wait3A_229 : memref<524288x128xf32, #tpu.memory_space<hbm>>) dst(%arg19 : memref<128x128xf32, #tpu.memory_space<vmem>>)
    %scan3A_230 = arith.constant 0 : i32
    %scan3A_231 = arith.constant 0 : i32
    %scan3A_232 = arith.constant 128 : i32
    %scan3A_233 = arith.addi %scan3A_231, %scan3A_232 : i32
    %scan3A_234 = arith.constant 1 : i32
    %scan3A_235 = scf.for %scan3A_322 = %scan3A_231 to %scan3A_233 step %scan3A_234 iter_args(%scan3A_323 = %scan3A_230) -> (i32)  : i32 {
      %broadcast_in_dim3A = arith.constant 0.000000e+00 : f32
      %broadcast_in_dim3A_324 = vector.broadcast %broadcast_in_dim3A : f32 to vector<16xf32>
      %get3A = arith.index_cast %scan3A_322 : i32 to index
      %get3A_325 = arith.constant 0 : index
      %get3A_326 = tpu.vector_load %arg15[%get3A, %get3A_325] {strides = array<i32>} : memref<128x128xf32, #tpu.memory_space<vmem>>, vector<1x16xf32>,
      %get3A_327 = vector.shape_cast %get3A_326 : vector<1x16xf32> to vector<16xf32>
      %get3A_328 = arith.index_cast %scan3A_322 : i32 to index
      %get3A_329 = arith.constant 64 : index
      %get3A_330 = tpu.vector_load %arg16[%get3A_328, %get3A_329] {strides = array<i32>} : memref<128x128xf32, #tpu.memory_space<vmem>>, vector<1x16xf32>,
      %get3A_331 = vector.shape_cast %get3A_330 : vector<1x16xf32> to vector<16xf32>
      %add3A_332 = arith.addf %get3A_327, %get3A_331 : vector<16xf32>
      %get3A_333 = arith.index_cast %scan3A_322 : i32 to index
      %get3A_334 = arith.constant 0 : index
      %get3A_335 = tpu.vector_load %arg18[%get3A_333, %get3A_334] {strides = array<i32>} : memref<128x128xf32, #tpu.memory_space<vmem>>, vector<1x16xf32>,
      %get3A_336 = vector.shape_cast %get3A_335 : vector<1x16xf32> to vector<16xf32>
      %get3A_337 = arith.index_cast %scan3A_322 : i32 to index
      %get3A_338 = arith.constant 64 : index
      %get3A_339 = tpu.vector_load %arg19[%get3A_337, %get3A_338] {strides = array<i32>} : memref<128x128xf32, #tpu.memory_space<vmem>>, vector<1x16xf32>,
      %get3A_340 = vector.shape_cast %get3A_339 : vector<1x16xf32> to vector<16xf32>
      %add3A_341 = arith.addf %get3A_336, %get3A_340 : vector<16xf32>
      %get3A_342 = arith.index_cast %scan3A_322 : i32 to index
      %get3A_343 = arith.constant 0 : index
      %get3A_344 = tpu.vector_load %arg17[%get3A_342, %get3A_343] {strides = array<i32>} : memref<128x128xf32, #tpu.memory_space<vmem>>, vector<1x16xf32>,
      %get3A_345 = vector.shape_cast %get3A_344 : vector<1x16xf32> to vector<16xf32>
      %mul3A_346 = arith.mulf %add3A_332, %get3A_345 : vector<16xf32>
      %mul3A_347 = arith.mulf %mul3A_346, %add3A_341 : vector<16xf32>
      %add3A_348 = arith.addf %broadcast_in_dim3A_324, %mul3A_347 : vector<16xf32>
      %get3A_349 = arith.index_cast %scan3A_322 : i32 to index
      %get3A_350 = arith.constant 16 : index
      %get3A_351 = tpu.vector_load %arg15[%get3A_349, %get3A_350] {strides = array<i32>} : memref<128x128xf32, #tpu.memory_space<vmem>>, vector<1x16xf32>,
      %get3A_352 = vector.shape_cast %get3A_351 : vector<1x16xf32> to vector<16xf32>
      %get3A_353 = arith.index_cast %scan3A_322 : i32 to index
      %get3A_354 = arith.constant 80 : index
      %get3A_355 = tpu.vector_load %arg16[%get3A_353, %get3A_354] {strides = array<i32>} : memref<128x128xf32, #tpu.memory_space<vmem>>, vector<1x16xf32>,
      %get3A_356 = vector.shape_cast %get3A_355 : vector<1x16xf32> to vector<16xf32>
      %add3A_357 = arith.addf %get3A_352, %get3A_356 : vector<16xf32>
      %get3A_358 = arith.index_cast %scan3A_322 : i32 to index
      %get3A_359 = arith.constant 16 : index
      %get3A_360 = tpu.vector_load %arg18[%get3A_358, %get3A_359] {strides = array<i32>} : memref<128x128xf32, #tpu.memory_space<vmem>>, vector<1x16xf32>,
      %get3A_361 = vector.shape_cast %get3A_360 : vector<1x16xf32> to vector<16xf32>
      %get3A_362 = arith.index_cast %scan3A_322 : i32 to index
      %get3A_363 = arith.constant 80 : index
      %get3A_364 = tpu.vector_load %arg19[%get3A_362, %get3A_363] {strides = array<i32>} : memref<128x128xf32, #tpu.memory_space<vmem>>, vector<1x16xf32>,
      %get3A_365 = vector.shape_cast %get3A_364 : vector<1x16xf32> to vector<16xf32>
      %add3A_366 = arith.addf %get3A_361, %get3A_365 : vector<16xf32>
      %get3A_367 = arith.index_cast %scan3A_322 : i32 to index
      %get3A_368 = arith.constant 16 : index
      %get3A_369 = tpu.vector_load %arg17[%get3A_367, %get3A_368] {strides = array<i32>} : memref<128x128xf32, #tpu.memory_space<vmem>>, vector<1x16xf32>,
      %get3A_370 = vector.shape_cast %get3A_369 : vector<1x16xf32> to vector<16xf32>
      %mul3A_371 = arith.mulf %add3A_357, %get3A_370 : vector<16xf32>
      %mul3A_372 = arith.mulf %mul3A_371, %add3A_366 : vector<16xf32>
      %add3A_373 = arith.addf %add3A_348, %mul3A_372 : vector<16xf32>
      %get3A_374 = arith.index_cast %scan3A_322 : i32 to index
      %get3A_375 = arith.constant 32 : index
      %get3A_376 = tpu.vector_load %arg15[%get3A_374, %get3A_375] {strides = array<i32>} : memref<128x128xf32, #tpu.memory_space<vmem>>, vector<1x16xf32>,
      %get3A_377 = vector.shape_cast %get3A_376 : vector<1x16xf32> to vector<16xf32>
      %get3A_378 = arith.index_cast %scan3A_322 : i32 to index
      %get3A_379 = arith.constant 96 : index
      %get3A_380 = tpu.vector_load %arg16[%get3A_378, %get3A_379] {strides = array<i32>} : memref<128x128xf32, #tpu.memory_space<vmem>>, vector<1x16xf32>,
      %get3A_381 = vector.shape_cast %get3A_380 : vector<1x16xf32> to vector<16xf32>
      %add3A_382 = arith.addf %get3A_377, %get3A_381 : vector<16xf32>
      %get3A_383 = arith.index_cast %scan3A_322 : i32 to index
      %get3A_384 = arith.constant 32 : index
      %get3A_385 = tpu.vector_load %arg18[%get3A_383, %get3A_384] {strides = array<i32>} : memref<128x128xf32, #tpu.memory_space<vmem>>, vector<1x16xf32>,
      %get3A_386 = vector.shape_cast %get3A_385 : vector<1x16xf32> to vector<16xf32>
      %get3A_387 = arith.index_cast %scan3A_322 : i32 to index
      %get3A_388 = arith.constant 96 : index
      %get3A_389 = tpu.vector_load %arg19[%get3A_387, %get3A_388] {strides = array<i32>} : memref<128x128xf32, #tpu.memory_space<vmem>>, vector<1x16xf32>,
      %get3A_390 = vector.shape_cast %get3A_389 : vector<1x16xf32> to vector<16xf32>
      %add3A_391 = arith.addf %get3A_386, %get3A_390 : vector<16xf32>
      %get3A_392 = arith.index_cast %scan3A_322 : i32 to index
      %get3A_393 = arith.constant 32 : index
      %get3A_394 = tpu.vector_load %arg17[%get3A_392, %get3A_393] {strides = array<i32>} : memref<128x128xf32, #tpu.memory_space<vmem>>, vector<1x16xf32>,
      %get3A_395 = vector.shape_cast %get3A_394 : vector<1x16xf32> to vector<16xf32>
      %mul3A_396 = arith.mulf %add3A_382, %get3A_395 : vector<16xf32>
      %mul3A_397 = arith.mulf %mul3A_396, %add3A_391 : vector<16xf32>
      %add3A_398 = arith.addf %add3A_373, %mul3A_397 : vector<16xf32>
      %get3A_399 = arith.index_cast %scan3A_322 : i32 to index
      %get3A_400 = arith.constant 48 : index
      %get3A_401 = tpu.vector_load %arg15[%get3A_399, %get3A_400] {strides = array<i32>} : memref<128x128xf32, #tpu.memory_space<vmem>>, vector<1x16xf32>,
      %get3A_402 = vector.shape_cast %get3A_401 : vector<1x16xf32> to vector<16xf32>
      %get3A_403 = arith.index_cast %scan3A_322 : i32 to index
      %get3A_404 = arith.constant 112 : index
      %get3A_405 = tpu.vector_load %arg16[%get3A_403, %get3A_404] {strides = array<i32>} : memref<128x128xf32, #tpu.memory_space<vmem>>, vector<1x16xf32>,
      %get3A_406 = vector.shape_cast %get3A_405 : vector<1x16xf32> to vector<16xf32>
      %add3A_407 = arith.addf %get3A_402, %get3A_406 : vector<16xf32>
      %get3A_408 = arith.index_cast %scan3A_322 : i32 to index
      %get3A_409 = arith.constant 48 : index
      %get3A_410 = tpu.vector_load %arg18[%get3A_408, %get3A_409] {strides = array<i32>} : memref<128x128xf32, #tpu.memory_space<vmem>>, vector<1x16xf32>,
      %get3A_411 = vector.shape_cast %get3A_410 : vector<1x16xf32> to vector<16xf32>
      %get3A_412 = arith.index_cast %scan3A_322 : i32 to index
      %get3A_413 = arith.constant 112 : index
      %get3A_414 = tpu.vector_load %arg19[%get3A_412, %get3A_413] {strides = array<i32>} : memref<128x128xf32, #tpu.memory_space<vmem>>, vector<1x16xf32>,
      %get3A_415 = vector.shape_cast %get3A_414 : vector<1x16xf32> to vector<16xf32>
      %add3A_416 = arith.addf %get3A_411, %get3A_415 : vector<16xf32>
      %get3A_417 = arith.index_cast %scan3A_322 : i32 to index
      %get3A_418 = arith.constant 48 : index
      %get3A_419 = tpu.vector_load %arg17[%get3A_417, %get3A_418] {strides = array<i32>} : memref<128x128xf32, #tpu.memory_space<vmem>>, vector<1x16xf32>,
      %get3A_420 = vector.shape_cast %get3A_419 : vector<1x16xf32> to vector<16xf32>
      %mul3A_421 = arith.mulf %add3A_407, %get3A_420 : vector<16xf32>
      %mul3A_422 = arith.mulf %mul3A_421, %add3A_416 : vector<16xf32>
      %add3A_423 = arith.addf %add3A_398, %mul3A_422 : vector<16xf32>
      %swap3A = arith.index_cast %scan3A_322 : i32 to index
      %swap3A_424 = arith.constant 0 : index
      %swap3A_425 = tpu.vector_load %arg20[%swap3A, %swap3A_424] {strides = array<i32>} : memref<128x16xf32, #tpu.memory_space<vmem>>, vector<1x16xf32>,
      %swap3A_426 = vector.shape_cast %swap3A_425 : vector<1x16xf32> to vector<16xf32>
      %swap3A_427 = vector.shape_cast %add3A_423 : vector<16xf32> to vector<1x16xf32>
      tpu.vector_store %arg20[%swap3A, %swap3A_424], %swap3A_427 {strides = array<i32>} : memref<128x16xf32, #tpu.memory_space<vmem>>, vector<1x16xf32>,
      %scan3A_428 = arith.constant 0 : i32
      scf.yield %scan3A_428 : i32
    }
    %scan3A_236 = arith.constant 128 : i32
    %mul3A_237 = arith.constant 512 : i32
    %mul3A_238 = arith.muli %add3A, %mul3A_237 : i32
    %add3A_239 = arith.constant 256 : i32
    %add3A_240 = arith.addi %mul3A_238, %add3A_239 : i32
    "tpu.region"() ({
      %run_scoped3A = tpu.sem_alloc : memref<!tpu.dma_semaphore, #tpu.memory_space<semaphore_mem>>
      %dma_start3A_322 = arith.constant 0 : i32
      %dma_start3A_323 = tpu.memref_slice %arg9[%add3A_240, %dma_start3A_322] : memref<16384x16xf32, #tpu.memory_space<hbm>> -> memref<128x16xf32, #tpu.memory_space<hbm>>
      %dma_start3A_324 = arith.constant 0 : i32
      %dma_start3A_325 = tpu.memref_slice %arg9[%add3A_240, %dma_start3A_324] : memref<16384x16xf32, #tpu.memory_space<hbm>> -> memref<128x16xf32, #tpu.memory_space<hbm>>
      tpu.enqueue_dma source(%arg20 : memref<128x16xf32, #tpu.memory_space<vmem>>) target(%dma_start3A_325 : memref<128x16xf32, #tpu.memory_space<hbm>>) target_semaphore(%run_scoped3A : memref<!tpu.dma_semaphore, #tpu.memory_space<semaphore_mem>>)
      %dma_wait3A_326 = arith.constant 0 : i32
      %dma_wait3A_327 = tpu.memref_slice %arg9[%add3A_240, %dma_wait3A_326] : memref<16384x16xf32, #tpu.memory_space<hbm>> -> memref<128x16xf32, #tpu.memory_space<hbm>>
      %dma_wait3A_328 = arith.constant 0 : i32
      %dma_wait3A_329 = tpu.memref_slice %arg9[%add3A_240, %dma_wait3A_328] : memref<16384x16xf32, #tpu.memory_space<hbm>> -> memref<128x16xf32, #tpu.memory_space<hbm>>
      tpu.wait_dma2 semaphore(%run_scoped3A : memref<!tpu.dma_semaphore, #tpu.memory_space<semaphore_mem>>) src(%arg20 : memref<128x16xf32, #tpu.memory_space<vmem>>) dst(%dma_wait3A_329 : memref<128x16xf32, #tpu.memory_space<hbm>>)
      tpu.yield
    }) : () -> ()
    %dma_start3A_241 = arith.constant 3 : i32
    %dma_start3A_242 = arith.constant 0 : i32
    %dma_start3A_243 = tpu.memref_slice %arg10[%dma_start3A_241, %dma_start3A_242] : memref<4x128xi32, #tpu.memory_space<vmem>> -> memref<1x128xi32, #tpu.memory_space<vmem>>
    %dma_start3A_244 = tpu.memref_squeeze %dma_start3A_243 : memref<1x128xi32, #tpu.memory_space<vmem>> -> memref<128xi32, #tpu.memory_space<vmem>>
    %dma_start3A_245 = arith.constant 0 : i32
    %dma_start3A_246 = arith.constant 0 : i32
    %dma_start3A_247 = tpu.memref_slice %arg2[%dma_start3A_245, %dma_start3A_246] : memref<524288x128xf32, #tpu.memory_space<hbm>> -> memref<524288x128xf32, #tpu.memory_space<hbm>>
    tpu.enqueue_indirect_dma source(%dma_start3A_247 : memref<524288x128xf32, #tpu.memory_space<hbm>>) target(%arg15 : memref<128x128xf32, #tpu.memory_space<vmem>>) offsets(%dma_start3A_244 : memref<128xi32, #tpu.memory_space<vmem>>) semaphore(%arg21 : memref<!tpu.dma_semaphore, #tpu.memory_space<semaphore_mem>>)
    %dma_start3A_248 = arith.constant 3 : i32
    %dma_start3A_249 = arith.constant 0 : i32
    %dma_start3A_250 = tpu.memref_slice %arg11[%dma_start3A_248, %dma_start3A_249] : memref<4x128xi32, #tpu.memory_space<vmem>> -> memref<1x128xi32, #tpu.memory_space<vmem>>
    %dma_start3A_251 = tpu.memref_squeeze %dma_start3A_250 : memref<1x128xi32, #tpu.memory_space<vmem>> -> memref<128xi32, #tpu.memory_space<vmem>>
    %dma_start3A_252 = arith.constant 0 : i32
    %dma_start3A_253 = arith.constant 0 : i32
    %dma_start3A_254 = tpu.memref_slice %arg2[%dma_start3A_252, %dma_start3A_253] : memref<524288x128xf32, #tpu.memory_space<hbm>> -> memref<524288x128xf32, #tpu.memory_space<hbm>>
    tpu.enqueue_indirect_dma source(%dma_start3A_254 : memref<524288x128xf32, #tpu.memory_space<hbm>>) target(%arg16 : memref<128x128xf32, #tpu.memory_space<vmem>>) offsets(%dma_start3A_251 : memref<128xi32, #tpu.memory_space<vmem>>) semaphore(%arg21 : memref<!tpu.dma_semaphore, #tpu.memory_space<semaphore_mem>>)
    %dma_start3A_255 = arith.constant 3 : i32
    %dma_start3A_256 = arith.constant 0 : i32
    %dma_start3A_257 = tpu.memref_slice %arg12[%dma_start3A_255, %dma_start3A_256] : memref<4x128xi32, #tpu.memory_space<vmem>> -> memref<1x128xi32, #tpu.memory_space<vmem>>
    %dma_start3A_258 = tpu.memref_squeeze %dma_start3A_257 : memref<1x128xi32, #tpu.memory_space<vmem>> -> memref<128xi32, #tpu.memory_space<vmem>>
    %dma_start3A_259 = arith.constant 0 : i32
    %dma_start3A_260 = arith.constant 0 : i32
    %dma_start3A_261 = tpu.memref_slice %arg3[%dma_start3A_259, %dma_start3A_260] : memref<512x128xf32, #tpu.memory_space<hbm>> -> memref<512x128xf32, #tpu.memory_space<hbm>>
    tpu.enqueue_indirect_dma source(%dma_start3A_261 : memref<512x128xf32, #tpu.memory_space<hbm>>) target(%arg17 : memref<128x128xf32, #tpu.memory_space<vmem>>) offsets(%dma_start3A_258 : memref<128xi32, #tpu.memory_space<vmem>>) semaphore(%arg22 : memref<!tpu.dma_semaphore, #tpu.memory_space<semaphore_mem>>)
    %dma_start3A_262 = arith.constant 3 : i32
    %dma_start3A_263 = arith.constant 0 : i32
    %dma_start3A_264 = tpu.memref_slice %arg13[%dma_start3A_262, %dma_start3A_263] : memref<4x128xi32, #tpu.memory_space<vmem>> -> memref<1x128xi32, #tpu.memory_space<vmem>>
    %dma_start3A_265 = tpu.memref_squeeze %dma_start3A_264 : memref<1x128xi32, #tpu.memory_space<vmem>> -> memref<128xi32, #tpu.memory_space<vmem>>
    %dma_start3A_266 = arith.constant 0 : i32
    %dma_start3A_267 = arith.constant 0 : i32
    %dma_start3A_268 = tpu.memref_slice %arg2[%dma_start3A_266, %dma_start3A_267] : memref<524288x128xf32, #tpu.memory_space<hbm>> -> memref<524288x128xf32, #tpu.memory_space<hbm>>
    tpu.enqueue_indirect_dma source(%dma_start3A_268 : memref<524288x128xf32, #tpu.memory_space<hbm>>) target(%arg18 : memref<128x128xf32, #tpu.memory_space<vmem>>) offsets(%dma_start3A_265 : memref<128xi32, #tpu.memory_space<vmem>>) semaphore(%arg23 : memref<!tpu.dma_semaphore, #tpu.memory_space<semaphore_mem>>)
    %dma_start3A_269 = arith.constant 3 : i32
    %dma_start3A_270 = arith.constant 0 : i32
    %dma_start3A_271 = tpu.memref_slice %arg14[%dma_start3A_269, %dma_start3A_270] : memref<4x128xi32, #tpu.memory_space<vmem>> -> memref<1x128xi32, #tpu.memory_space<vmem>>
    %dma_start3A_272 = tpu.memref_squeeze %dma_start3A_271 : memref<1x128xi32, #tpu.memory_space<vmem>> -> memref<128xi32, #tpu.memory_space<vmem>>
    %dma_start3A_273 = arith.constant 0 : i32
    %dma_start3A_274 = arith.constant 0 : i32
    %dma_start3A_275 = tpu.memref_slice %arg2[%dma_start3A_273, %dma_start3A_274] : memref<524288x128xf32, #tpu.memory_space<hbm>> -> memref<524288x128xf32, #tpu.memory_space<hbm>>
    tpu.enqueue_indirect_dma source(%dma_start3A_275 : memref<524288x128xf32, #tpu.memory_space<hbm>>) target(%arg19 : memref<128x128xf32, #tpu.memory_space<vmem>>) offsets(%dma_start3A_272 : memref<128xi32, #tpu.memory_space<vmem>>) semaphore(%arg23 : memref<!tpu.dma_semaphore, #tpu.memory_space<semaphore_mem>>)
    %dma_wait3A_276 = arith.constant 3 : i32
    %dma_wait3A_277 = arith.constant 0 : i32
    %dma_wait3A_278 = tpu.memref_slice %arg10[%dma_wait3A_276, %dma_wait3A_277] : memref<4x128xi32, #tpu.memory_space<vmem>> -> memref<1x128xi32, #tpu.memory_space<vmem>>
    %dma_wait3A_279 = tpu.memref_squeeze %dma_wait3A_278 : memref<1x128xi32, #tpu.memory_space<vmem>> -> memref<128xi32, #tpu.memory_space<vmem>>
    %dma_wait3A_280 = arith.constant 0 : i32
    %dma_wait3A_281 = arith.constant 0 : i32
    %dma_wait3A_282 = tpu.memref_slice %arg2[%dma_wait3A_280, %dma_wait3A_281] : memref<524288x128xf32, #tpu.memory_space<hbm>> -> memref<524288x128xf32, #tpu.memory_space<hbm>>
    tpu.wait_indirect_dma semaphore(%arg21 : memref<!tpu.dma_semaphore, #tpu.memory_space<semaphore_mem>>) src(%dma_wait3A_282 : memref<524288x128xf32, #tpu.memory_space<hbm>>) dst(%arg15 : memref<128x128xf32, #tpu.memory_space<vmem>>)
    %dma_wait3A_283 = arith.constant 3 : i32
    %dma_wait3A_284 = arith.constant 0 : i32
    %dma_wait3A_285 = tpu.memref_slice %arg11[%dma_wait3A_283, %dma_wait3A_284] : memref<4x128xi32, #tpu.memory_space<vmem>> -> memref<1x128xi32, #tpu.memory_space<vmem>>
    %dma_wait3A_286 = tpu.memref_squeeze %dma_wait3A_285 : memref<1x128xi32, #tpu.memory_space<vmem>> -> memref<128xi32, #tpu.memory_space<vmem>>
    %dma_wait3A_287 = arith.constant 0 : i32
    %dma_wait3A_288 = arith.constant 0 : i32
    %dma_wait3A_289 = tpu.memref_slice %arg2[%dma_wait3A_287, %dma_wait3A_288] : memref<524288x128xf32, #tpu.memory_space<hbm>> -> memref<524288x128xf32, #tpu.memory_space<hbm>>
    tpu.wait_indirect_dma semaphore(%arg21 : memref<!tpu.dma_semaphore, #tpu.memory_space<semaphore_mem>>) src(%dma_wait3A_289 : memref<524288x128xf32, #tpu.memory_space<hbm>>) dst(%arg16 : memref<128x128xf32, #tpu.memory_space<vmem>>)
    %dma_wait3A_290 = arith.constant 3 : i32
    %dma_wait3A_291 = arith.constant 0 : i32
    %dma_wait3A_292 = tpu.memref_slice %arg12[%dma_wait3A_290, %dma_wait3A_291] : memref<4x128xi32, #tpu.memory_space<vmem>> -> memref<1x128xi32, #tpu.memory_space<vmem>>
    %dma_wait3A_293 = tpu.memref_squeeze %dma_wait3A_292 : memref<1x128xi32, #tpu.memory_space<vmem>> -> memref<128xi32, #tpu.memory_space<vmem>>
    %dma_wait3A_294 = arith.constant 0 : i32
    %dma_wait3A_295 = arith.constant 0 : i32
    %dma_wait3A_296 = tpu.memref_slice %arg3[%dma_wait3A_294, %dma_wait3A_295] : memref<512x128xf32, #tpu.memory_space<hbm>> -> memref<512x128xf32, #tpu.memory_space<hbm>>
    tpu.wait_indirect_dma semaphore(%arg22 : memref<!tpu.dma_semaphore, #tpu.memory_space<semaphore_mem>>) src(%dma_wait3A_296 : memref<512x128xf32, #tpu.memory_space<hbm>>) dst(%arg17 : memref<128x128xf32, #tpu.memory_space<vmem>>)
    %dma_wait3A_297 = arith.constant 3 : i32
    %dma_wait3A_298 = arith.constant 0 : i32
    %dma_wait3A_299 = tpu.memref_slice %arg13[%dma_wait3A_297, %dma_wait3A_298] : memref<4x128xi32, #tpu.memory_space<vmem>> -> memref<1x128xi32, #tpu.memory_space<vmem>>
    %dma_wait3A_300 = tpu.memref_squeeze %dma_wait3A_299 : memref<1x128xi32, #tpu.memory_space<vmem>> -> memref<128xi32, #tpu.memory_space<vmem>>
    %dma_wait3A_301 = arith.constant 0 : i32
    %dma_wait3A_302 = arith.constant 0 : i32
    %dma_wait3A_303 = tpu.memref_slice %arg2[%dma_wait3A_301, %dma_wait3A_302] : memref<524288x128xf32, #tpu.memory_space<hbm>> -> memref<524288x128xf32, #tpu.memory_space<hbm>>
    tpu.wait_indirect_dma semaphore(%arg23 : memref<!tpu.dma_semaphore, #tpu.memory_space<semaphore_mem>>) src(%dma_wait3A_303 : memref<524288x128xf32, #tpu.memory_space<hbm>>) dst(%arg18 : memref<128x128xf32, #tpu.memory_space<vmem>>)
    %dma_wait3A_304 = arith.constant 3 : i32
    %dma_wait3A_305 = arith.constant 0 : i32
    %dma_wait3A_306 = tpu.memref_slice %arg14[%dma_wait3A_304, %dma_wait3A_305] : memref<4x128xi32, #tpu.memory_space<vmem>> -> memref<1x128xi32, #tpu.memory_space<vmem>>
    %dma_wait3A_307 = tpu.memref_squeeze %dma_wait3A_306 : memref<1x128xi32, #tpu.memory_space<vmem>> -> memref<128xi32, #tpu.memory_space<vmem>>
    %dma_wait3A_308 = arith.constant 0 : i32
    %dma_wait3A_309 = arith.constant 0 : i32
    %dma_wait3A_310 = tpu.memref_slice %arg2[%dma_wait3A_308, %dma_wait3A_309] : memref<524288x128xf32, #tpu.memory_space<hbm>> -> memref<524288x128xf32, #tpu.memory_space<hbm>>
    tpu.wait_indirect_dma semaphore(%arg23 : memref<!tpu.dma_semaphore, #tpu.memory_space<semaphore_mem>>) src(%dma_wait3A_310 : memref<524288x128xf32, #tpu.memory_space<hbm>>) dst(%arg19 : memref<128x128xf32, #tpu.memory_space<vmem>>)
    %scan3A_311 = arith.constant 0 : i32
    %scan3A_312 = arith.constant 0 : i32
    %scan3A_313 = arith.constant 128 : i32
    %scan3A_314 = arith.addi %scan3A_312, %scan3A_313 : i32
    %scan3A_315 = arith.constant 1 : i32
    %scan3A_316 = scf.for %scan3A_322 = %scan3A_312 to %scan3A_314 step %scan3A_315 iter_args(%scan3A_323 = %scan3A_311) -> (i32)  : i32 {
      %broadcast_in_dim3A = arith.constant 0.000000e+00 : f32
      %broadcast_in_dim3A_324 = vector.broadcast %broadcast_in_dim3A : f32 to vector<16xf32>
      %get3A = arith.index_cast %scan3A_322 : i32 to index
      %get3A_325 = arith.constant 0 : index
      %get3A_326 = tpu.vector_load %arg15[%get3A, %get3A_325] {strides = array<i32>} : memref<128x128xf32, #tpu.memory_space<vmem>>, vector<1x16xf32>,
      %get3A_327 = vector.shape_cast %get3A_326 : vector<1x16xf32> to vector<16xf32>
      %get3A_328 = arith.index_cast %scan3A_322 : i32 to index
      %get3A_329 = arith.constant 64 : index
      %get3A_330 = tpu.vector_load %arg16[%get3A_328, %get3A_329] {strides = array<i32>} : memref<128x128xf32, #tpu.memory_space<vmem>>, vector<1x16xf32>,
      %get3A_331 = vector.shape_cast %get3A_330 : vector<1x16xf32> to vector<16xf32>
      %add3A_332 = arith.addf %get3A_327, %get3A_331 : vector<16xf32>
      %get3A_333 = arith.index_cast %scan3A_322 : i32 to index
      %get3A_334 = arith.constant 0 : index
      %get3A_335 = tpu.vector_load %arg18[%get3A_333, %get3A_334] {strides = array<i32>} : memref<128x128xf32, #tpu.memory_space<vmem>>, vector<1x16xf32>,
      %get3A_336 = vector.shape_cast %get3A_335 : vector<1x16xf32> to vector<16xf32>
      %get3A_337 = arith.index_cast %scan3A_322 : i32 to index
      %get3A_338 = arith.constant 64 : index
      %get3A_339 = tpu.vector_load %arg19[%get3A_337, %get3A_338] {strides = array<i32>} : memref<128x128xf32, #tpu.memory_space<vmem>>, vector<1x16xf32>,
      %get3A_340 = vector.shape_cast %get3A_339 : vector<1x16xf32> to vector<16xf32>
      %add3A_341 = arith.addf %get3A_336, %get3A_340 : vector<16xf32>
      %get3A_342 = arith.index_cast %scan3A_322 : i32 to index
      %get3A_343 = arith.constant 0 : index
      %get3A_344 = tpu.vector_load %arg17[%get3A_342, %get3A_343] {strides = array<i32>} : memref<128x128xf32, #tpu.memory_space<vmem>>, vector<1x16xf32>,
      %get3A_345 = vector.shape_cast %get3A_344 : vector<1x16xf32> to vector<16xf32>
      %mul3A_346 = arith.mulf %add3A_332, %get3A_345 : vector<16xf32>
      %mul3A_347 = arith.mulf %mul3A_346, %add3A_341 : vector<16xf32>
      %add3A_348 = arith.addf %broadcast_in_dim3A_324, %mul3A_347 : vector<16xf32>
      %get3A_349 = arith.index_cast %scan3A_322 : i32 to index
      %get3A_350 = arith.constant 16 : index
      %get3A_351 = tpu.vector_load %arg15[%get3A_349, %get3A_350] {strides = array<i32>} : memref<128x128xf32, #tpu.memory_space<vmem>>, vector<1x16xf32>,
      %get3A_352 = vector.shape_cast %get3A_351 : vector<1x16xf32> to vector<16xf32>
      %get3A_353 = arith.index_cast %scan3A_322 : i32 to index
      %get3A_354 = arith.constant 80 : index
      %get3A_355 = tpu.vector_load %arg16[%get3A_353, %get3A_354] {strides = array<i32>} : memref<128x128xf32, #tpu.memory_space<vmem>>, vector<1x16xf32>,
      %get3A_356 = vector.shape_cast %get3A_355 : vector<1x16xf32> to vector<16xf32>
      %add3A_357 = arith.addf %get3A_352, %get3A_356 : vector<16xf32>
      %get3A_358 = arith.index_cast %scan3A_322 : i32 to index
      %get3A_359 = arith.constant 16 : index
      %get3A_360 = tpu.vector_load %arg18[%get3A_358, %get3A_359] {strides = array<i32>} : memref<128x128xf32, #tpu.memory_space<vmem>>, vector<1x16xf32>,
      %get3A_361 = vector.shape_cast %get3A_360 : vector<1x16xf32> to vector<16xf32>
      %get3A_362 = arith.index_cast %scan3A_322 : i32 to index
      %get3A_363 = arith.constant 80 : index
      %get3A_364 = tpu.vector_load %arg19[%get3A_362, %get3A_363] {strides = array<i32>} : memref<128x128xf32, #tpu.memory_space<vmem>>, vector<1x16xf32>,
      %get3A_365 = vector.shape_cast %get3A_364 : vector<1x16xf32> to vector<16xf32>
      %add3A_366 = arith.addf %get3A_361, %get3A_365 : vector<16xf32>
      %get3A_367 = arith.index_cast %scan3A_322 : i32 to index
      %get3A_368 = arith.constant 16 : index
      %get3A_369 = tpu.vector_load %arg17[%get3A_367, %get3A_368] {strides = array<i32>} : memref<128x128xf32, #tpu.memory_space<vmem>>, vector<1x16xf32>,
      %get3A_370 = vector.shape_cast %get3A_369 : vector<1x16xf32> to vector<16xf32>
      %mul3A_371 = arith.mulf %add3A_357, %get3A_370 : vector<16xf32>
      %mul3A_372 = arith.mulf %mul3A_371, %add3A_366 : vector<16xf32>
      %add3A_373 = arith.addf %add3A_348, %mul3A_372 : vector<16xf32>
      %get3A_374 = arith.index_cast %scan3A_322 : i32 to index
      %get3A_375 = arith.constant 32 : index
      %get3A_376 = tpu.vector_load %arg15[%get3A_374, %get3A_375] {strides = array<i32>} : memref<128x128xf32, #tpu.memory_space<vmem>>, vector<1x16xf32>,
      %get3A_377 = vector.shape_cast %get3A_376 : vector<1x16xf32> to vector<16xf32>
      %get3A_378 = arith.index_cast %scan3A_322 : i32 to index
      %get3A_379 = arith.constant 96 : index
      %get3A_380 = tpu.vector_load %arg16[%get3A_378, %get3A_379] {strides = array<i32>} : memref<128x128xf32, #tpu.memory_space<vmem>>, vector<1x16xf32>,
      %get3A_381 = vector.shape_cast %get3A_380 : vector<1x16xf32> to vector<16xf32>
      %add3A_382 = arith.addf %get3A_377, %get3A_381 : vector<16xf32>
      %get3A_383 = arith.index_cast %scan3A_322 : i32 to index
      %get3A_384 = arith.constant 32 : index
      %get3A_385 = tpu.vector_load %arg18[%get3A_383, %get3A_384] {strides = array<i32>} : memref<128x128xf32, #tpu.memory_space<vmem>>, vector<1x16xf32>,
      %get3A_386 = vector.shape_cast %get3A_385 : vector<1x16xf32> to vector<16xf32>
      %get3A_387 = arith.index_cast %scan3A_322 : i32 to index
      %get3A_388 = arith.constant 96 : index
      %get3A_389 = tpu.vector_load %arg19[%get3A_387, %get3A_388] {strides = array<i32>} : memref<128x128xf32, #tpu.memory_space<vmem>>, vector<1x16xf32>,
      %get3A_390 = vector.shape_cast %get3A_389 : vector<1x16xf32> to vector<16xf32>
      %add3A_391 = arith.addf %get3A_386, %get3A_390 : vector<16xf32>
      %get3A_392 = arith.index_cast %scan3A_322 : i32 to index
      %get3A_393 = arith.constant 32 : index
      %get3A_394 = tpu.vector_load %arg17[%get3A_392, %get3A_393] {strides = array<i32>} : memref<128x128xf32, #tpu.memory_space<vmem>>, vector<1x16xf32>,
      %get3A_395 = vector.shape_cast %get3A_394 : vector<1x16xf32> to vector<16xf32>
      %mul3A_396 = arith.mulf %add3A_382, %get3A_395 : vector<16xf32>
      %mul3A_397 = arith.mulf %mul3A_396, %add3A_391 : vector<16xf32>
      %add3A_398 = arith.addf %add3A_373, %mul3A_397 : vector<16xf32>
      %get3A_399 = arith.index_cast %scan3A_322 : i32 to index
      %get3A_400 = arith.constant 48 : index
      %get3A_401 = tpu.vector_load %arg15[%get3A_399, %get3A_400] {strides = array<i32>} : memref<128x128xf32, #tpu.memory_space<vmem>>, vector<1x16xf32>,
      %get3A_402 = vector.shape_cast %get3A_401 : vector<1x16xf32> to vector<16xf32>
      %get3A_403 = arith.index_cast %scan3A_322 : i32 to index
      %get3A_404 = arith.constant 112 : index
      %get3A_405 = tpu.vector_load %arg16[%get3A_403, %get3A_404] {strides = array<i32>} : memref<128x128xf32, #tpu.memory_space<vmem>>, vector<1x16xf32>,
      %get3A_406 = vector.shape_cast %get3A_405 : vector<1x16xf32> to vector<16xf32>
      %add3A_407 = arith.addf %get3A_402, %get3A_406 : vector<16xf32>
      %get3A_408 = arith.index_cast %scan3A_322 : i32 to index
      %get3A_409 = arith.constant 48 : index
      %get3A_410 = tpu.vector_load %arg18[%get3A_408, %get3A_409] {strides = array<i32>} : memref<128x128xf32, #tpu.memory_space<vmem>>, vector<1x16xf32>,
      %get3A_411 = vector.shape_cast %get3A_410 : vector<1x16xf32> to vector<16xf32>
      %get3A_412 = arith.index_cast %scan3A_322 : i32 to index
      %get3A_413 = arith.constant 112 : index
      %get3A_414 = tpu.vector_load %arg19[%get3A_412, %get3A_413] {strides = array<i32>} : memref<128x128xf32, #tpu.memory_space<vmem>>, vector<1x16xf32>,
      %get3A_415 = vector.shape_cast %get3A_414 : vector<1x16xf32> to vector<16xf32>
      %add3A_416 = arith.addf %get3A_411, %get3A_415 : vector<16xf32>
      %get3A_417 = arith.index_cast %scan3A_322 : i32 to index
      %get3A_418 = arith.constant 48 : index
      %get3A_419 = tpu.vector_load %arg17[%get3A_417, %get3A_418] {strides = array<i32>} : memref<128x128xf32, #tpu.memory_space<vmem>>, vector<1x16xf32>,
      %get3A_420 = vector.shape_cast %get3A_419 : vector<1x16xf32> to vector<16xf32>
      %mul3A_421 = arith.mulf %add3A_407, %get3A_420 : vector<16xf32>
      %mul3A_422 = arith.mulf %mul3A_421, %add3A_416 : vector<16xf32>
      %add3A_423 = arith.addf %add3A_398, %mul3A_422 : vector<16xf32>
      %swap3A = arith.index_cast %scan3A_322 : i32 to index
      %swap3A_424 = arith.constant 0 : index
      %swap3A_425 = tpu.vector_load %arg20[%swap3A, %swap3A_424] {strides = array<i32>} : memref<128x16xf32, #tpu.memory_space<vmem>>, vector<1x16xf32>,
      %swap3A_426 = vector.shape_cast %swap3A_425 : vector<1x16xf32> to vector<16xf32>
      %swap3A_427 = vector.shape_cast %add3A_423 : vector<16xf32> to vector<1x16xf32>
      tpu.vector_store %arg20[%swap3A, %swap3A_424], %swap3A_427 {strides = array<i32>} : memref<128x16xf32, #tpu.memory_space<vmem>>, vector<1x16xf32>,
      %scan3A_428 = arith.constant 0 : i32
      scf.yield %scan3A_428 : i32
    }
    %scan3A_317 = arith.constant 128 : i32
    %mul3A_318 = arith.constant 512 : i32
    %mul3A_319 = arith.muli %add3A, %mul3A_318 : i32
    %add3A_320 = arith.constant 384 : i32
    %add3A_321 = arith.addi %mul3A_319, %add3A_320 : i32
    "tpu.region"() ({
      %run_scoped3A = tpu.sem_alloc : memref<!tpu.dma_semaphore, #tpu.memory_space<semaphore_mem>>
      %dma_start3A_322 = arith.constant 0 : i32
      %dma_start3A_323 = tpu.memref_slice %arg9[%add3A_321, %dma_start3A_322] : memref<16384x16xf32, #tpu.memory_space<hbm>> -> memref<128x16xf32, #tpu.memory_space<hbm>>
      %dma_start3A_324 = arith.constant 0 : i32
      %dma_start3A_325 = tpu.memref_slice %arg9[%add3A_321, %dma_start3A_324] : memref<16384x16xf32, #tpu.memory_space<hbm>> -> memref<128x16xf32, #tpu.memory_space<hbm>>
      tpu.enqueue_dma source(%arg20 : memref<128x16xf32, #tpu.memory_space<vmem>>) target(%dma_start3A_325 : memref<128x16xf32, #tpu.memory_space<hbm>>) target_semaphore(%run_scoped3A : memref<!tpu.dma_semaphore, #tpu.memory_space<semaphore_mem>>)
      %dma_wait3A_326 = arith.constant 0 : i32
      %dma_wait3A_327 = tpu.memref_slice %arg9[%add3A_321, %dma_wait3A_326] : memref<16384x16xf32, #tpu.memory_space<hbm>> -> memref<128x16xf32, #tpu.memory_space<hbm>>
      %dma_wait3A_328 = arith.constant 0 : i32
      %dma_wait3A_329 = tpu.memref_slice %arg9[%add3A_321, %dma_wait3A_328] : memref<16384x16xf32, #tpu.memory_space<hbm>> -> memref<128x16xf32, #tpu.memory_space<hbm>>
      tpu.wait_dma2 semaphore(%run_scoped3A : memref<!tpu.dma_semaphore, #tpu.memory_space<semaphore_mem>>) src(%arg20 : memref<128x16xf32, #tpu.memory_space<vmem>>) dst(%dma_wait3A_329 : memref<128x16xf32, #tpu.memory_space<hbm>>)
      tpu.yield
    }) : () -> ()
    return
  }
}

module attributes {stable_mosaic.version = 14 : i64} {
  func.func @_pack_split_body(%arg0: i32, %arg1: memref<64x16384xf32, #tpu.memory_space<vmem>>, %arg2: memref<64x16384xf32, #tpu.memory_space<vmem>>, %arg3: memref<16384x128xf32, #tpu.memory_space<vmem>>) attributes {dimension_semantics = [#tpu.dimension_semantics<arbitrary>], iteration_bounds = array<i64: 31>, scalar_prefetch = 0 : i64, scratch_operands = 0 : i64, tpu.core_type = #tpu.core_type<tc>, window_params = [{transform_indices = @transform_0, window_bounds = array<i64: 64, 16384>}, {transform_indices = @transform_1, window_bounds = array<i64: 64, 16384>}, {transform_indices = @transform_2, window_bounds = array<i64: 16384, 128>}]} {
    %get3A = arith.constant 0 : index
    %get3A_0 = arith.constant 0 : index
    %get3A_1 = vector.load %arg1[%get3A, %get3A_0] : memref<64x16384xf32, #tpu.memory_space<vmem>>, vector<64x16384xf32>
    %get3A_2 = arith.constant 0 : index
    %get3A_3 = arith.constant 0 : index
    %get3A_4 = vector.load %arg2[%get3A_2, %get3A_3] : memref<64x16384xf32, #tpu.memory_space<vmem>>, vector<64x16384xf32>
    %concatenate3A = tpu.concatenate %get3A_1, %get3A_4 in 0 : vector<64x16384xf32>, vector<64x16384xf32> -> vector<128x16384xf32>
    %transpose3A = tpu.transpose %concatenate3A, [1, 0] : vector<128x16384xf32> -> vector<16384x128xf32>
    %swap3A = arith.constant 0 : index
    %swap3A_5 = arith.constant 0 : index
    %swap3A_6 = vector.load %arg3[%swap3A, %swap3A_5] : memref<16384x128xf32, #tpu.memory_space<vmem>>, vector<16384x128xf32>
    tpu.vector_store %arg3[%swap3A, %swap3A_5], %transpose3A {strides = array<i32>} : memref<16384x128xf32, #tpu.memory_space<vmem>>, vector<16384x128xf32>,
    return
  }
  func.func @transform_0(%arg0: i32) -> (i32, i32) {
    %c0_i32 = arith.constant 0 : i32
    %c0_i32_0 = arith.constant 0 : i32
    return %c0_i32, %arg0 : i32, i32
  }
  func.func @transform_1(%arg0: i32) -> (i32, i32) {
    %add3A = arith.constant 31 : i32
    %add3A_0 = arith.addi %arg0, %add3A : i32
    %c0_i32 = arith.constant 0 : i32
    %c0_i32_1 = arith.constant 0 : i32
    return %c0_i32, %add3A_0 : i32, i32
  }
  func.func @transform_2(%arg0: i32) -> (i32, i32) {
    %c0_i32 = arith.constant 0 : i32
    %c0_i32_0 = arith.constant 0 : i32
    return %arg0, %c0_i32 : i32, i32
  }
}

module attributes {stable_mosaic.version = 14 : i64} {
  func.func @_zero_body(%arg0: i32, %arg1: memref<524288x128xf32, #tpu.memory_space<hbm>>, %arg2: memref<16384x128xf32, #tpu.memory_space<vmem>>) attributes {dimension_semantics = [#tpu.dimension_semantics<arbitrary>], iteration_bounds = array<i64: 1>, scalar_prefetch = 0 : i64, scratch_operands = 0 : i64, tpu.core_type = #tpu.core_type<tc>, window_params = [{}, {transform_indices = @transform_1, window_bounds = array<i64: 16384, 128>}]} {
    %broadcast_in_dim3A = arith.constant 0.000000e+00 : f32
    %broadcast_in_dim3A_0 = vector.broadcast %broadcast_in_dim3A : f32 to vector<16384x128xf32>
    %swap3A = arith.constant 0 : index
    %swap3A_1 = arith.constant 0 : index
    %swap3A_2 = vector.load %arg2[%swap3A, %swap3A_1] : memref<16384x128xf32, #tpu.memory_space<vmem>>, vector<16384x128xf32>
    tpu.vector_store %arg2[%swap3A, %swap3A_1], %broadcast_in_dim3A_0 {strides = array<i32>} : memref<16384x128xf32, #tpu.memory_space<vmem>>, vector<16384x128xf32>,
    return
  }
  func.func @transform_1(%arg0: i32) -> (i32, i32) {
    %c31_i32 = arith.constant 31 : i32
    %c0_i32 = arith.constant 0 : i32
    %c0_i32_0 = arith.constant 0 : i32
    return %c31_i32, %c0_i32 : i32, i32
  }
}

module attributes {stable_mosaic.version = 14 : i64} {
  func.func @_pack_dup_body(%arg0: i32, %arg1: memref<64x512xf32, #tpu.memory_space<vmem>>, %arg2: memref<512x128xf32, #tpu.memory_space<vmem>>) attributes {dimension_semantics = [#tpu.dimension_semantics<arbitrary>], iteration_bounds = array<i64: 1>, scalar_prefetch = 0 : i64, scratch_operands = 0 : i64, tpu.core_type = #tpu.core_type<tc>, window_params = [{transform_indices = @transform_0, window_bounds = array<i64: 64, 512>}, {pipeline_mode = #tpu.pipeline_mode<synchronous>, transform_indices = @transform_1, window_bounds = array<i64: 512, 128>}]} {
    %get3A = arith.constant 0 : index
    %get3A_0 = arith.constant 0 : index
    %get3A_1 = vector.load %arg1[%get3A, %get3A_0] : memref<64x512xf32, #tpu.memory_space<vmem>>, vector<64x512xf32>
    %concatenate3A = tpu.concatenate %get3A_1, %get3A_1 in 0 : vector<64x512xf32>, vector<64x512xf32> -> vector<128x512xf32>
    %transpose3A = tpu.transpose %concatenate3A, [1, 0] : vector<128x512xf32> -> vector<512x128xf32>
    %swap3A = arith.constant 0 : index
    %swap3A_2 = arith.constant 0 : index
    %swap3A_3 = vector.load %arg2[%swap3A, %swap3A_2] : memref<512x128xf32, #tpu.memory_space<vmem>>, vector<512x128xf32>
    tpu.vector_store %arg2[%swap3A, %swap3A_2], %transpose3A {strides = array<i32>} : memref<512x128xf32, #tpu.memory_space<vmem>>, vector<512x128xf32>,
    return
  }
  func.func @transform_0(%arg0: i32) -> (i32, i32) {
    %c0_i32 = arith.constant 0 : i32
    %c0_i32_0 = arith.constant 0 : i32
    %c0_i32_1 = arith.constant 0 : i32
    return %c0_i32, %c0_i32_0 : i32, i32
  }
  func.func @transform_1(%arg0: i32) -> (i32, i32) {
    %c0_i32 = arith.constant 0 : i32
    %c0_i32_0 = arith.constant 0 : i32
    %c0_i32_1 = arith.constant 0 : i32
    return %c0_i32, %c0_i32_0 : i32, i32
  }
}

module attributes {stable_mosaic.version = 14 : i64} {
  func.func @_reduce_body(%arg0: i32, %arg1: memref<2048x16xf32, #tpu.memory_space<vmem>>, %arg2: memref<2048xf32, #tpu.memory_space<vmem>>) attributes {dimension_semantics = [#tpu.dimension_semantics<arbitrary>], iteration_bounds = array<i64: 8>, scalar_prefetch = 0 : i64, scratch_operands = 0 : i64, tpu.core_type = #tpu.core_type<tc>, window_params = [{transform_indices = @transform_0, window_bounds = array<i64: 2048, 16>}, {transform_indices = @transform_1, window_bounds = array<i64: 2048>}]} {
    %get3A = arith.constant 0 : index
    %get3A_0 = arith.constant 0 : index
    %get3A_1 = vector.load %arg1[%get3A, %get3A_0] : memref<2048x16xf32, #tpu.memory_space<vmem>>, vector<2048x16xf32>
    %reduce_sum3A = arith.constant dense<0.000000e+00> : vector<2048xf32>
    %reduce_sum3A_2 = vector.multi_reduction <add>, %get3A_1, %reduce_sum3A [1] : vector<2048x16xf32> to vector<2048xf32>
    %swap3A = arith.constant 0 : index
    %swap3A_3 = vector.load %arg2[%swap3A] : memref<2048xf32, #tpu.memory_space<vmem>>, vector<2048xf32>
    tpu.vector_store %arg2[%swap3A], %reduce_sum3A_2 {strides = array<i32>} : memref<2048xf32, #tpu.memory_space<vmem>>, vector<2048xf32>,
    return
  }
  func.func @transform_0(%arg0: i32) -> (i32, i32) {
    %c0_i32 = arith.constant 0 : i32
    %c0_i32_0 = arith.constant 0 : i32
    return %arg0, %c0_i32 : i32, i32
  }
  func.func @transform_1(%arg0: i32) -> i32 {
    %c0_i32 = arith.constant 0 : i32
    return %arg0 : i32
  }
}

</mosaic_0001>

<sc_bundles>
// kernel: kernel.7.cloned.1.call-start
scs
__scs_entry_jumppad:
0x0: {  	(pc) =	sbr.rel $0x88, $3  }
0x1: {  	(tag) =	ssettag $0x0;
	lr =	simm.s32 $0x1  }
0x2: {  	[smem:$0x3F9C] =	sst lr;
	_ =	strace $0xD0000000  }
0x3: {  	_ = 	snop  }
0x4: {  	_ = 	snop  }
0x5: {  	_ = 	snop  }
0x6: {  	_ = 	snop  }
0x7: {  	_ = 	snop  }
__scs_overlays_trampoline_lowered:
0x8: {  	[smem:$0x3FAB] =	sst s0  }
0x9: {  	[smem:$0x3FAC] =	sst s1  }
0xa: {  	[smem:$0x3FAD] =	sst s2  }
0xb: {  	[smem:$0x3FAE] =	sst s3  }
0xc: {  	[smem:$0x3FAF] =	sst s4  }
0xd: {  	[smem:$0x3FB0] =	sst s5  }
0xe: {  	[smem:$0x3FB1] =	sst s6  }
0xf: {  	[smem:$0x3FB2] =	sst s7  }
0x10: {  	[smem:$0x3FB3] =	sst s8  }
0x11: {  	[smem:$0x3FB4] =	sst s9;
	s0 =	simm.s32 @!p0 $0x0  }
0x12: {  	s1 =	sld [smem:$0x3F9A];
	s0 =	simm.s32 @p0 $0x1  }
0x13: {  	[smem:$0x3FB5] =	sst s0;
	s0 =	simm.s32 @!p1 $0x0  }
0x14: {  	s2 =	sld [smem:$0x3F99];
	s0 =	simm.s32 @p1 $0x1  }
0x15: {  	[smem:$0x3FB6] =	sst s0;
	s0 =	simm.s32 @!p2 $0x0  }
0x16: {  	s3 =	sld [smem:$0x3FDB];
	s0 =	simm.s32 @p2 $0x1  }
0x17: {  	s4 =	simm.s32 $0x1BF5;
	[smem:$0x3FB8] =	sst s0  }
0x18: {  	s0 =	sld [smem:$0x3F9B];
	_ =	swait.ge [sflag:s4], $0x0  }
0x19: {  	s7 =	sld [smem:$0x3F9C]  }
0x1a: {  	s8 =	sadd.s32 $0xFFFFE003, lr  }
0x1b: {  	s9 =	sadd.s32 $0xFFFFFEF7, lr;
	s5 =	simm.s32 $0xFFFFFFFF;
	p2 =	slt.u32 s8, $0xFFFFF086  }
0x1c: {  	p1 =	slt.u32 s9, $0xF7A;
	s5 =	simm.s32 @!p2 $0x0  }
0x1d: {  	s5 =	simm.s32 @p1 $0x1;
	p0 =	seq.s32 s7, s2  }
0x1e: {  	s7 =	smul.u32 @!p0 $0xF7A, s2;
	p2 =	seq.s32 @!p0 s5, $0x0  }
0x1f: {  	s9 =	smul.u32 $0xF7A, s1;
	s8 =	simm.s32 @!p0 $0x1BF5;
	p2 =	por !p2, p0  }
0x20: {  	[sflag:s8] =	ssyncset.s32 @!p0 $0xFFFFF086;
	s6 =	sadd.s32 @!p0 s3, s7;
	s7 =	simm.s32 @!p0 $0x108  }
0x21: {  	s3 =	sadd.s32 s3, s9;
	s6 =	sadd.s32 @!p0 $0x88, s6;
	s7 =	simm.s32 @p2 $0x1082  }
0x22: {  	[simem:s7], [sflag:s8] =	dma.local @!p0 [hbm:s6], $0xF7A  }
0x23: {  	s9 =	sor.u32 $0xD0000000, s2;
	s6 =	simm.s32 $0x108;
	_ =	swait.ge @!p0 [sflag:s8], $0x0  }
0x24: {  	s3 =	sadd.s32 $0x88, s3;
	s6 =	simm.s32 @!p1 $0x1082;
	[sflag:s4] =	ssyncset.s32 $0xFFFFF086  }
0x25: {  	[simem:s6], [sflag:s4] =	dma.local [hbm:s3], $0xF7A  }
0x26: {  	[smem:$0x3F9C] =	sst s1;
	(tag) =	ssettag s2;
	_ =	strace s9  }
0x27: {  	s1 =	sld [smem:$0x3FAC]  }
0x28: {  	s2 =	sld [smem:$0x3FAD]  }
0x29: {  	s4 =	sld [smem:$0x3FAF]  }
0x2a: {  	p0 =	seq.s32 s5, $0x0;
	s5 =	sld [smem:$0x3FB0]  }
0x2b: {  	s6 =	sld [smem:$0x3FB1]  }
0x2c: {  	s7 =	sld [smem:$0x3FB2]  }
0x2d: {  	s3 =	simm.s32 $0x108;
	s8 =	sld [smem:$0x3FB3]  }
0x2e: {  	s3 =	simm.s32 @!p0 $0x1082;
	s9 =	sld [smem:$0x3FB4]  }
0x2f: {  	lr =	sadd.s32 s0, s3;
	s0 =	sld [smem:$0x3FAB]  }
0x30: {  	s3 =	sld [smem:$0x3FAE]  }
0x31: {  	[smem:$0x3FB7] =	sst s10  }
0x32: {  	s10 =	sld [smem:$0x3FB5];
	_ =	sdelay $0x3  }
0x33: {  	p0 =	seq.s32 s10, $0x1;
	s10 =	sld [smem:$0x3FB7];
	_ =	sdelay $0x3  }
0x34: {  	[smem:$0x3FB7] =	sst s10  }
0x35: {  	s10 =	sld [smem:$0x3FB6];
	_ =	sdelay $0x3  }
0x36: {  	p1 =	seq.s32 s10, $0x1;
	s10 =	sld [smem:$0x3FB7];
	_ =	sdelay $0x3  }
0x37: {  	[smem:$0x3FB7] =	sst s10  }
0x38: {  	s10 =	sld [smem:$0x3FB8]  }
0x39: {  	_ = 	snop;
	(pc) =	sbr.ind lr, $3  }
0x3a: {  	_ = 	snop  }
0x3b: {  	_ = 	snop  }
0x3c: {  	p2 =	seq.s32 s10, $0x1;
	s10 =	sld [smem:$0x3FB7]  }
0x3d: {  	_ =	shalt  }
0x3e: {  	_ =	shalt  }
0x3f: {  	_ =	shalt  }
0x40: {  	_ =	shalt  }
0x41: {  	_ =	shalt  }
0x42: {  	_ =	shalt  }
0x43: {  	_ =	shalt  }
0x44: {  	_ =	shalt  }
0x45: {  	_ =	shalt  }
0x46: {  	_ =	shalt  }
0x47: {  	_ =	shalt  }
0x48: {  	_ =	shalt  }
0x49: {  	_ =	shalt  }
0x4a: {  	_ =	shalt  }
0x4b: {  	_ =	shalt  }
0x4c: {  	_ =	shalt  }
0x4d: {  	_ =	shalt  }
0x4e: {  	_ =	shalt  }
0x4f: {  	_ =	shalt  }
0x50: {  	_ =	shalt  }
0x51: {  	_ =	shalt  }
0x52: {  	_ =	shalt  }
0x53: {  	_ =	shalt  }
0x54: {  	_ =	shalt  }
0x55: {  	_ =	shalt  }
0x56: {  	_ =	shalt  }
0x57: {  	_ =	shalt  }
0x58: {  	_ =	shalt  }
0x59: {  	_ =	shalt  }
0x5a: {  	_ =	shalt  }
0x5b: {  	_ =	shalt  }
0x5c: {  	_ =	shalt  }
0x5d: {  	_ =	shalt  }
0x5e: {  	_ =	shalt  }
0x5f: {  	_ =	shalt  }
0x60: {  	_ =	shalt  }
0x61: {  	_ =	shalt  }
0x62: {  	_ =	shalt  }
0x63: {  	_ =	shalt  }
0x64: {  	_ =	shalt  }
0x65: {  	_ =	shalt  }
0x66: {  	_ =	shalt  }
0x67: {  	_ =	shalt  }
0x68: {  	_ =	shalt  }
0x69: {  	_ =	shalt  }
0x6a: {  	_ =	shalt  }
0x6b: {  	_ =	shalt  }
0x6c: {  	_ =	shalt  }
0x6d: {  	_ =	shalt  }
0x6e: {  	_ =	shalt  }
0x6f: {  	_ =	shalt  }
0x70: {  	_ =	shalt  }
0x71: {  	_ =	shalt  }
0x72: {  	_ =	shalt  }
0x73: {  	_ =	shalt  }
0x74: {  	_ =	shalt  }
0x75: {  	_ =	shalt  }
0x76: {  	_ =	shalt  }
0x77: {  	_ =	shalt  }
0x78: {  	_ =	shalt  }
0x79: {  	_ =	shalt  }
0x7a: {  	_ =	shalt  }
0x7b: {  	_ =	shalt  }
0x7c: {  	_ =	shalt  }
0x7d: {  	_ =	shalt  }
0x7e: {  	_ =	shalt  }
0x7f: {  	_ =	shalt  }
0x80: {  	_ =	shalt  }
0x81: {  	_ =	shalt  }
0x82: {  	_ =	shalt  }
0x83: {  	_ =	shalt  }
0x84: {  	_ =	shalt  }
0x85: {  	_ =	shalt  }
0x86: {  	_ =	shalt  }
0x87: {  	_ =	shalt  }
.Lfunc_end0:
.L_simem_size_0:
called_computation_lowered:
.L_overlay_start_0:
0x88: {  	s2 =	sld [smem:$0x3FD9]  }
0x89: {  	s3 =	sld [smem:$0x3FFE];
	_ =	sdelay $0x1  }
0x8a: {  	s1 =	srdreg.scid  }
0x8b: {  	s0 =	sand.u32 $0x1, s1  }
0x8c: {  	s17 =	sshll.u32 s0, $0xA;
	s2 =	sadd.s32 s3, s2  }
0x8d: {  	s2 =	sadd.s32 s2, s17  }
0x8e: {  	[smem:$0x3FC3] =	sst s2  }
0x8f: {  	_ = 	snop  }
0x90: {  	s2 =	sld [smem:$0x3FC8]  }
0x91: {  	s18 =	sld [smem:$0x3FD0];
	(tm) =	ssettm $0x1  }
0x92: {  	s4 =	sld [smem:$0x3FFB];
	_ =	sdelay $0x3  }
0x93: {  	_ =	strace s4  }
0x94: {  	s4 =	sld [smem:$0x3FFC];
	_ =	sdelay $0x3  }
0x95: {  	_ =	strace s4  }
0x96: {  	s4 =	sld [smem:$0x3FFD];
	_ =	sdelay $0x3  }
0x97: {  	_ =	strace s4  }
0x98: {  	_ =	strace $0x8FFFFFFF  }
0x99: {  	s19 =	sld [smem:$0x3FDB];
	_ =	sdelay $0x1  }
0x9a: {  	s5 =	simm.s32 $_scs_section_size  }
0x9b: {  	s6 =	simm.s32 $_size__tile_overlayer_lowered;
	s7 =	simm.s32 $_tile_overlayer_lowered  }
0x9c: {  	s22 =	simm.s32 $0x1BFF;
	s21 =	sshll.u32 s7, $0x1;
	s4 =	sadd.s32 s5, s19  }
0x9d: {  	s8 =	simm.s32 $0x0;
	s20 =	sshll.u32 s6, $0x1;
	s6 =	sadd.s32 s21, s4  }
0x9e: {  	[timem:s8], [sflag:s22] =	dma.local [hbm:s6], s20  }
0x9f: {  	_ =	swait.ge [sflag:s22], s20  }
0xa0: {  	s5 =	ssub.s32 $0x0, s20;
	[sflag:s22] =	ssyncset.done $0x0  }
0xa1: {  	[sflag:s22] =	ssyncadd.s32 s5;
	_ =	sdelay $0x1  }
0xa2: {  	s23 =	simm.s32 $0x1B8B  }
0xa3: {  	_ =	swait.ge [sflag:s23], $0x1  }
0xa4: {  	[sflag:s23] =	ssyncset.done $0x0  }
0xa5: {  	s25 =	simm.s32 $0x1B8E;
	s24 =	sld [smem:$0x3FFE];
	[sflag:s23] =	ssyncadd.s32 $0xFFFFFFFF  }
0xa6: {  	s26 =	simm.s32 $execute0_lowered;
	[smem:$0x3FD2] =	sst s25  }
0xa7: {  	s6 =	sshll.u32 s26, $0x1;
	_ =	strace $0x80000046;
	[dreg:$0x1] =	wrdreg $0xFFFFFFFF  }
0xa8: {  	s28 =	simm.s32 $_size_execute0_lowered;
	s4 =	sadd.s32 s4, s6;
	[dreg:$0x0] =	wrdreg $0x0  }
0xa9: {  	s6 =	sshll.u32 s28, $0x1;
	[dreg:$0x2] =	wrdreg s4  }
0xaa: {  	[dreg:$0x3] =	wrdreg s6  }
0xab: {  	[dreg:$0x4] =	wrdreg $0xC0  }
0xac: {  	_ =	task [dreg:s8], $0x5FFFF  }
0xad: {  	[dreg:$0x1] =	wrdreg $0xFFFFFFFF  }
0xae: {  	[dreg:$0x0] =	wrdreg $0x60  }
0xaf: {  	[dreg:$0x2] =	wrdreg s24  }
0xb0: {  	[dreg:$0x3] =	wrdreg s18  }
0xb1: {  	[dreg:$0x4] =	wrdreg s2  }
0xb2: {  	[dreg:$0x5] =	wrdreg $0x9  }
0xb3: {  	_ =	task.clear_ibuf [dreg:s8], $0x6FFFF;
	_ =	strace $0x90000046  }
0xb4: {  	s29 =	simm.s32 $0x9;
	_ =	strace $0x80000048  }
0xb5: {  	_ =	swait.ge [sflag:s29], $0x1  }
0xb6: {  	[sflag:s29] =	ssyncadd.s32 $0xFFFFFFFF  }
0xb7: {  	_ =	strace $0x90000048  }
0xb8: {  	_ =	sfence  }
0xb9: {  	s30 =	sld [smem:$0x0];
	_ =	sdelay $0x2  }
0xba: {  	s31 =	sshll.u32 s1, $0xD;
	s1 =	sshrl.u32 s1, $0x2  }
0xbb: {  	s3 =	sand.u32 $0x4000, s31;
	s1 =	sadd.s32 s1, s30  }
0xbc: {  	s0 =	sor.u32 s3, s0;
	s1 =	sshll.u32 s1, $0x11  }
0xbd: {  	s0 =	sor.u32 s1, s0  }
0xbe: {  	s0 =	sadd.s32 $0x8F2B, s0  }
0xbf: {  	[sflag:s0] =	ssyncadd.remote.s32 $0x1  }
0xc0: {  	_ =	sfence.sel $0xFFFF  }
0xc1: {  	[dreg:$0x0] =	wrdreg $0xFFFFFFFF;
	(pc) =	sbr.abs _section_cstart, $3  }
0xc2: {  	[dreg:$0x1] =	wrdreg $0xFFFFFFFF  }
0xc3: {  	_ =	task.clear_ibuf [dreg:s8], $0x2FFFF;
	_ =	strace $0x9FFFFFFF  }
0xc4: {  	(tm) =	ssettm $0x7FFFFFFF  }
0xc5: {  	_ =	shalt  }
tec
execute0_lowered:
.L_overlay_start_1:
0x0: {  	(tag) =	ssettag $0x1  }
0x1: {  	s0 =	rddreg [dreg:$0x0]  }
0x2: {  	s1 =	rddreg [dreg:$0x1]  }
0x3: {  	s9 =	rddreg [dreg:$0x2]  }
0x4: {  	s3 =	srdreg.scid;
	s2 =	simm.s32 $0x0;
	s4 =	stileid.u32  }
0x5: {  	s15 =	simm.s32 $0x4;
	s16 =	simm.s32 $0x200;
	s17 =	simm.s32 $0x400  }
0x6: {  	s18 =	simm.s32 $0x600;
	s19 =	simm.s32 $0x800;
	s20 =	simm.s32 $0x80  }
0x7: {  	s21 =	simm.s32 $0xA00;
	s22 =	simm.s32 $0x4A00;
	s23 =	simm.s32 $0x8A00  }
0x8: {  	s24 =	simm.s32 $0xCA00;
	s25 =	simm.s32 $0x10A00;
	s26 =	simm.s32 $0x1  }
0x9: {  	s28 =	simm.s32 $0x2;
	s29 =	simm.s32 $0x3;
	s30 =	simm.s32 $0x14A00  }
0xa: {  	s5 =	sand.u32 $0x1, s3;
	[smem:$0x7FF] =	sst s2;
	s4 =	sshll.u32 s4, $0xA  }
0xb: {  	s3 =	sadd.s32 $0x1200, s0;
	s6 =	sshll.u32 s5, $0x9;
	_ =	strace $0x80000047  }
0xc: {  	s5 =	ssub.s32 $0x2, s5;
	s6 =	sor.u32 s6, s4;
	s4 =	sadd.s32 $0x801200, s0  }
0xd: {  	s7 =	sshrl.u32 s5, $0x1;
	s10 =	sshrl.u32 s6, $0x3;
	s6 =	sshll.u32 s6, $0x4  }
0xe: {  	s14 =	ssub.s32 s5, s7;
	s8 =	sadd.s32 s10, s0;
	s0 =	sadd.s32 s6, s0  }
0xf: {  	s6 =	sadd.s32 s1, s10;
	s9 =	sadd.s32 s9, s10;
	s31 =	sadd.s32 $0x803200, s8  }
0x10: {  	s14 =	smax.u32 s14, $0x1;
	s7 =	sadd.s32 $0x804200, s8;
	s8 =	sadd.s32 $0x803A00, s8  }
0x11: {  	s1 =	simm.s32 $0x0;
	s10 =	sadd.s32 $0x804A00, s0;
	s11 =	sadd.s32 $0x805200, s0  }
0x12: {  	s12 =	sadd.s32 $0x805A00, s0;
	s13 =	sadd.s32 $0x806200, s0;
	[dreg:$0x4] =	wrdreg s31  }
.LBB2_1:
0x13: {  	s0 =	rddreg [dreg:$0x4]  }
0x14: {  	[tilespmem:s2], [sflag:$0x4] =	stream.linear.gather [hbm4b:s0+s2], $0x200, $0x38;
	[tilespmem:$0x18A00] =	vst v63  }
0x15: {  	_ =	swait.ge [sflag:s15], $0x200  }
0x16: {  	[sflag:s15] =	ssyncset.done $0x0  }
0x17: {  	[sflag:s15] =	ssyncadd.s32 $0xFFFFFE00  }
0x18: {  	[tilespmem:s16], [sflag:$0x4] =	stream.linear.gather [hbm4b:s6+s2], $0x200, $0x38;
	[tilespmem:$0x18A00] =	vst v63  }
0x19: {  	_ =	swait.ge [sflag:s15], $0x200  }
0x1a: {  	[sflag:s15] =	ssyncset.done $0x0  }
0x1b: {  	[sflag:s15] =	ssyncadd.s32 $0xFFFFFE00  }
0x1c: {  	[tilespmem:s17], [sflag:$0x4] =	stream.linear.gather [hbm4b:s9+s2], $0x200, $0x38;
	[tilespmem:$0x18A00] =	vst v63  }
0x1d: {  	_ =	swait.ge [sflag:s15], $0x200  }
0x1e: {  	[sflag:s15] =	ssyncset.done $0x0  }
0x1f: {  	[sflag:s15] =	ssyncadd.s32 $0xFFFFFE00  }
0x20: {  	[tilespmem:s18], [sflag:$0x4] =	stream.linear.gather [hbm4b:s7+s2], $0x200, $0x38;
	[tilespmem:$0x18A00] =	vst v63  }
0x21: {  	_ =	swait.ge [sflag:s15], $0x200  }
0x22: {  	[sflag:s15] =	ssyncset.done $0x0  }
0x23: {  	[sflag:s15] =	ssyncadd.s32 $0xFFFFFE00  }
0x24: {  	[tilespmem:s19], [sflag:$0x4] =	stream.linear.gather [hbm4b:s8+s2], $0x200, $0x38;
	[tilespmem:$0x18A00] =	vst v63  }
0x25: {  	_ =	swait.ge [sflag:s15], $0x200  }
0x26: {  	[sflag:s15] =	ssyncset.done $0x0  }
0x27: {  	[sflag:s15] =	ssyncadd.s32 $0xFFFFFE00  }
0x28: {  	[tilespmem:s21], [sflag:$0x1] =	stream.indirect.gather [hbm4b:s3+s20], $0x80, s2, s20, $0xb8;
	[tilespmem:$0x18A00] =	vst v63  }
0x29: {  	_ = 	snop  }
0x2a: {  	[tilespmem:s22], [sflag:$0x1] =	stream.indirect.gather [hbm4b:s3+s20], $0x80, s16, s20, $0xb8;
	[tilespmem:$0x18A00] =	vst v63  }
0x2b: {  	_ = 	snop  }
0x2c: {  	[tilespmem:s23], [sflag:$0x2] =	stream.indirect.gather [hbm4b:s4+s20], $0x80, s17, s20, $0xb8;
	[tilespmem:$0x18A00] =	vst v63  }
0x2d: {  	_ = 	snop  }
0x2e: {  	[tilespmem:s24], [sflag:$0x3] =	stream.indirect.gather [hbm4b:s3+s20], $0x80, s18, s20, $0xb8;
	[tilespmem:$0x18A00] =	vst v63  }
0x2f: {  	_ = 	snop  }
0x30: {  	[tilespmem:s25], [sflag:$0x3] =	stream.indirect.gather [hbm4b:s3+s20], $0x80, s19, s20, $0xb8;
	[tilespmem:$0x18A00] =	vst v63  }
0x31: {  	_ =	swait.ge [sflag:s26], $0x4000  }
0x32: {  	[sflag:s26] =	ssyncset.done $0x0  }
0x33: {  	[sflag:s26] =	ssyncadd.s32 $0xFFFFC000  }
0x34: {  	_ =	swait.ge [sflag:s26], $0x4000  }
0x35: {  	[sflag:s26] =	ssyncset.done $0x0  }
0x36: {  	[sflag:s26] =	ssyncadd.s32 $0xFFFFC000  }
0x37: {  	_ =	swait.ge [sflag:s28], $0x4000  }
0x38: {  	[sflag:s28] =	ssyncset.done $0x0  }
0x39: {  	[sflag:s28] =	ssyncadd.s32 $0xFFFFC000  }
0x3a: {  	_ =	swait.ge [sflag:s29], $0x4000  }
0x3b: {  	[sflag:s29] =	ssyncset.done $0x0  }
0x3c: {  	[sflag:s29] =	ssyncadd.s32 $0xFFFFC000  }
0x3d: {  	_ =	swait.ge [sflag:s29], $0x4000  }
0x3e: {  	[sflag:s29] =	ssyncset.done $0x0  }
0x3f: {  	s31 =	simm.s32 $0x0;
	[sflag:s29] =	ssyncadd.s32 $0xFFFFC000  }
0x40: {  	v1 =	vld [tilespmem:s31+$0xCA30]  }
0x41: {  	v0 =	vld [tilespmem:s31+$0xCA20]  }
0x42: {  	v2 =	vld [tilespmem:s31+$0x10A60]  }
0x43: {  	v3 =	vld [tilespmem:s31+$0xA30]  }
0x44: {  	v4 =	vld [tilespmem:s31+$0xCA10]  }
0x45: {  	v6 =	vld [tilespmem:s31+$0x10A50]  }
0x46: {  	v5 =	vld [tilespmem:s31+$0x8A10]  }
0x47: {  	v7 =	vld [tilespmem:s31+$0xCA00]  }
0x48: {  	v8 =	vld [tilespmem:s31+$0x10A40]  }
0x49: {  	v9 =	vld [tilespmem:s31+$0x8A00]  }
0x4a: {  	s0 =	simm.s32 $0x200;
	v10 =	vld [tilespmem:s31+$0xA00]  }
.LBB2_2:
0x4b: {  	p0 =	sne.s32 s0, $0xFE00;
	v11 =	vld [tilespmem:s31+$0x4A40]  }
0x4c: {  	v12 =	vld [tilespmem:s31+$0xA10]  }
0x4d: {  	v13 =	vld [tilespmem:s31+$0x4A50]  }
0x4e: {  	v14 =	vld [tilespmem:s31+$0xA20]  }
0x4f: {  	v15 =	vld [tilespmem:s31+$0x4A60]  }
0x50: {  	v10 =	vadd.f32 v11, v10;
	v11 =	vld [tilespmem:s31+$0x4A70]  }
0x51: {  	v16 =	vld [tilespmem:s31+$0x8A20]  }
0x52: {  	v7 =	vadd.f32 v8, v7;
	v8 =	vmul.f32 v9, v10;
	v9 =	vadd.f32 v13, v12;
	v10 =	vld [tilespmem:s31+$0x10A70]  }
0x53: {  	s5 =	sshra.s32 s0, $0x2;
	v4 =	vadd.f32 v6, v4;
	v6 =	vld [tilespmem:s31+$0x8A30]  }
0x54: {  	v12 =	vld [tilespmem:s5+$0xCA30];
	v7 =	vmul.f32 v8, v7;
	v5 =	vmul.f32 v5, v9;
	v8 =	vadd.f32 v15, v14  }
0x55: {  	v9 =	vadd.f32 v2, v0;
	v0 =	vld [tilespmem:s5+$0xCA20];
	v11 =	vadd.f32 v11, v3  }
0x56: {  	v2 =	vld [tilespmem:s5+$0x10A60];
	v7 =	vadd.f32 $0.0e+00, v7;
	v5 =	vmul.f32 v5, v4;
	v8 =	vmul.f32 v16, v8  }
0x57: {  	v3 =	vld [tilespmem:s5+$0xA30];
	v10 =	vadd.f32 v10, v1  }
0x58: {  	v4 =	vld [tilespmem:s5+$0xCA10];
	v7 =	vadd.f32 v5, v7;
	v8 =	vmul.f32 v8, v9;
	v9 =	vmul.f32 v6, v11  }
0x59: {  	v6 =	vld [tilespmem:s5+$0x10A50];
	v1 =	vmov v12  }
.Ltmp0:
0x5a: {  	v5 =	vld [tilespmem:s5+$0x8A10];
	v11 =	vadd.f32 v8, v7;
	v9 =	vmul.f32 v9, v10;
	(pc) =	sbr.rel @p0 .LBB2_2-.Ltmp0, $4  }
0x5b: {  	v7 =	vld [tilespmem:s5+$0xCA00]  }
0x5c: {  	v8 =	vld [tilespmem:s5+$0x10A40];
	v11 =	vadd.f32 v9, v11  }
0x5d: {  	v9 =	vld [tilespmem:s5+$0x8A00]  }
0x5e: {  	s0 =	sadd.s32 $0x200, s0;
	v10 =	vld [tilespmem:s5+$0xA00];
	[tilespmem:s31+$0x14A00] =	vst v11;
	s31 =	smov.u32 s5  }
0x5f: {  	v11 =	vld [tilespmem:s31+$0x4A40]  }
0x60: {  	v12 =	vld [tilespmem:s31+$0xA10]  }
0x61: {  	v13 =	vld [tilespmem:s31+$0x4A50]  }
0x62: {  	v14 =	vld [tilespmem:s31+$0xA20]  }
0x63: {  	v15 =	vld [tilespmem:s31+$0x4A60]  }
0x64: {  	v10 =	vadd.f32 v11, v10;
	v11 =	vld [tilespmem:s31+$0x4A70]  }
0x65: {  	v16 =	vld [tilespmem:s31+$0x8A20]  }
0x66: {  	v7 =	vadd.f32 v8, v7;
	v8 =	vmul.f32 v9, v10;
	v9 =	vadd.f32 v13, v12;
	v10 =	vld [tilespmem:s31+$0x10A70]  }
0x67: {  	v4 =	vadd.f32 v6, v4;
	v6 =	vld [tilespmem:s31+$0x8A30]  }
0x68: {  	v7 =	vmul.f32 v8, v7;
	v5 =	vmul.f32 v5, v9;
	v8 =	vadd.f32 v15, v14  }
0x69: {  	v0 =	vadd.f32 v2, v0;
	v2 =	vadd.f32 v11, v3  }
0x6a: {  	v3 =	vadd.f32 $0.0e+00, v7;
	v4 =	vmul.f32 v5, v4;
	v5 =	vmul.f32 v16, v8  }
0x6b: {  	v1 =	vadd.f32 v10, v1  }
0x6c: {  	v2 =	vmul.f32 v6, v2;
	v3 =	vadd.f32 v4, v3;
	v0 =	vmul.f32 v5, v0;
	_ =	sdelay $0x1  }
0x6d: {  	v1 =	vmul.f32 v2, v1;
	v0 =	vadd.f32 v0, v3;
	_ =	sdelay $0x1  }
0x6e: {  	v0 =	vadd.f32 v1, v0;
	_ =	sdelay $0x1  }
0x6f: {  	s0 =	simm.s32 $0x0;
	[tilespmem:s31+$0x14A00] =	vst v0  }
0x70: {  	[hbm4b:s10+s0] =	stream.linear.scatter [tilespmem:s30], [sflag:$0x4], $0x4000, $0x38;
	[tilespmem:$0x18A00] =	vst v63  }
0x71: {  	_ =	swait.ge [sflag:s15], $0x4000  }
0x72: {  	[sflag:s15] =	ssyncset.done $0x0  }
0x73: {  	[sflag:s15] =	ssyncadd.s32 $0xFFFFC000  }
0x74: {  	[tilespmem:s21], [sflag:$0x1] =	stream.indirect.gather [hbm4b:s3+s20], $0x80, s20, s20, $0xb8;
	[tilespmem:$0x18A00] =	vst v63  }
0x75: {  	s5 =	simm.s32 $0x280  }
0x76: {  	[tilespmem:s22], [sflag:$0x1] =	stream.indirect.gather [hbm4b:s3+s20], $0x80, s5, s20, $0xb8;
	[tilespmem:$0x18A00] =	vst v63  }
0x77: {  	s5 =	simm.s32 $0x480  }
0x78: {  	[tilespmem:s23], [sflag:$0x2] =	stream.indirect.gather [hbm4b:s4+s20], $0x80, s5, s20, $0xb8;
	[tilespmem:$0x18A00] =	vst v63  }
0x79: {  	s5 =	simm.s32 $0x680  }
0x7a: {  	[tilespmem:s24], [sflag:$0x3] =	stream.indirect.gather [hbm4b:s3+s20], $0x80, s5, s20, $0xb8;
	[tilespmem:$0x18A00] =	vst v63  }
0x7b: {  	s5 =	simm.s32 $0x880  }
0x7c: {  	[tilespmem:s25], [sflag:$0x3] =	stream.indirect.gather [hbm4b:s3+s20], $0x80, s5, s20, $0xb8;
	[tilespmem:$0x18A00] =	vst v63  }
0x7d: {  	_ =	swait.ge [sflag:s26], $0x4000  }
0x7e: {  	[sflag:s26] =	ssyncset.done $0x0  }
0x7f: {  	[sflag:s26] =	ssyncadd.s32 $0xFFFFC000  }
0x80: {  	_ =	swait.ge [sflag:s26], $0x4000  }
0x81: {  	[sflag:s26] =	ssyncset.done $0x0  }
0x82: {  	[sflag:s26] =	ssyncadd.s32 $0xFFFFC000  }
0x83: {  	_ =	swait.ge [sflag:s28], $0x4000  }
0x84: {  	[sflag:s28] =	ssyncset.done $0x0  }
0x85: {  	[sflag:s28] =	ssyncadd.s32 $0xFFFFC000  }
0x86: {  	_ =	swait.ge [sflag:s29], $0x4000  }
0x87: {  	[sflag:s29] =	ssyncset.done $0x0  }
0x88: {  	[sflag:s29] =	ssyncadd.s32 $0xFFFFC000  }
0x89: {  	_ =	swait.ge [sflag:s29], $0x4000  }
0x8a: {  	[sflag:s29] =	ssyncset.done $0x0  }
0x8b: {  	s31 =	simm.s32 $0x0;
	[sflag:s29] =	ssyncadd.s32 $0xFFFFC000  }
0x8c: {  	v1 =	vld [tilespmem:s31+$0xCA30]  }
0x8d: {  	v0 =	vld [tilespmem:s31+$0xCA20]  }
0x8e: {  	v2 =	vld [tilespmem:s31+$0x10A60]  }
0x8f: {  	v3 =	vld [tilespmem:s31+$0xA30]  }
0x90: {  	v4 =	vld [tilespmem:s31+$0xCA10]  }
0x91: {  	v6 =	vld [tilespmem:s31+$0x10A50]  }
0x92: {  	v5 =	vld [tilespmem:s31+$0x8A10]  }
0x93: {  	v7 =	vld [tilespmem:s31+$0xCA00]  }
0x94: {  	v8 =	vld [tilespmem:s31+$0x10A40]  }
0x95: {  	v9 =	vld [tilespmem:s31+$0x8A00]  }
0x96: {  	s0 =	simm.s32 $0x200;
	v10 =	vld [tilespmem:s31+$0xA00]  }
.LBB2_4:
0x97: {  	p0 =	sne.s32 s0, $0xFE00;
	v11 =	vld [tilespmem:s31+$0x4A40]  }
0x98: {  	v12 =	vld [tilespmem:s31+$0xA10]  }
0x99: {  	v13 =	vld [tilespmem:s31+$0x4A50]  }
0x9a: {  	v14 =	vld [tilespmem:s31+$0xA20]  }
0x9b: {  	v15 =	vld [tilespmem:s31+$0x4A60]  }
0x9c: {  	v10 =	vadd.f32 v11, v10;
	v11 =	vld [tilespmem:s31+$0x4A70]  }
0x9d: {  	v16 =	vld [tilespmem:s31+$0x8A20]  }
0x9e: {  	v7 =	vadd.f32 v8, v7;
	v8 =	vmul.f32 v9, v10;
	v9 =	vadd.f32 v13, v12;
	v10 =	vld [tilespmem:s31+$0x10A70]  }
0x9f: {  	s5 =	sshra.s32 s0, $0x2;
	v4 =	vadd.f32 v6, v4;
	v6 =	vld [tilespmem:s31+$0x8A30]  }
0xa0: {  	v12 =	vld [tilespmem:s5+$0xCA30];
	v7 =	vmul.f32 v8, v7;
	v5 =	vmul.f32 v5, v9;
	v8 =	vadd.f32 v15, v14  }
0xa1: {  	v9 =	vadd.f32 v2, v0;
	v0 =	vld [tilespmem:s5+$0xCA20];
	v11 =	vadd.f32 v11, v3  }
0xa2: {  	v2 =	vld [tilespmem:s5+$0x10A60];
	v7 =	vadd.f32 $0.0e+00, v7;
	v5 =	vmul.f32 v5, v4;
	v8 =	vmul.f32 v16, v8  }
0xa3: {  	v3 =	vld [tilespmem:s5+$0xA30];
	v10 =	vadd.f32 v10, v1  }
0xa4: {  	v4 =	vld [tilespmem:s5+$0xCA10];
	v7 =	vadd.f32 v5, v7;
	v8 =	vmul.f32 v8, v9;
	v9 =	vmul.f32 v6, v11  }
0xa5: {  	v6 =	vld [tilespmem:s5+$0x10A50];
	v1 =	vmov v12  }
.Ltmp1:
0xa6: {  	v5 =	vld [tilespmem:s5+$0x8A10];
	v11 =	vadd.f32 v8, v7;
	v9 =	vmul.f32 v9, v10;
	(pc) =	sbr.rel @p0 .LBB2_4-.Ltmp1, $4  }
0xa7: {  	v7 =	vld [tilespmem:s5+$0xCA00]  }
0xa8: {  	v8 =	vld [tilespmem:s5+$0x10A40];
	v11 =	vadd.f32 v9, v11  }
0xa9: {  	v9 =	vld [tilespmem:s5+$0x8A00]  }
0xaa: {  	s0 =	sadd.s32 $0x200, s0;
	v10 =	vld [tilespmem:s5+$0xA00];
	[tilespmem:s31+$0x14A00] =	vst v11;
	s31 =	smov.u32 s5  }
0xab: {  	v11 =	vld [tilespmem:s31+$0x4A40]  }
0xac: {  	v12 =	vld [tilespmem:s31+$0xA10]  }
0xad: {  	v13 =	vld [tilespmem:s31+$0x4A50]  }
0xae: {  	v14 =	vld [tilespmem:s31+$0xA20]  }
0xaf: {  	v15 =	vld [tilespmem:s31+$0x4A60]  }
0xb0: {  	v10 =	vadd.f32 v11, v10;
	v11 =	vld [tilespmem:s31+$0x4A70]  }
0xb1: {  	v16 =	vld [tilespmem:s31+$0x8A20]  }
0xb2: {  	v7 =	vadd.f32 v8, v7;
	v8 =	vmul.f32 v9, v10;
	v9 =	vadd.f32 v13, v12;
	v10 =	vld [tilespmem:s31+$0x10A70]  }
0xb3: {  	v4 =	vadd.f32 v6, v4;
	v6 =	vld [tilespmem:s31+$0x8A30]  }
0xb4: {  	v7 =	vmul.f32 v8, v7;
	v5 =	vmul.f32 v5, v9;
	v8 =	vadd.f32 v15, v14  }
0xb5: {  	v0 =	vadd.f32 v2, v0;
	v2 =	vadd.f32 v11, v3  }
0xb6: {  	v3 =	vadd.f32 $0.0e+00, v7;
	v4 =	vmul.f32 v5, v4;
	v5 =	vmul.f32 v16, v8  }
0xb7: {  	v1 =	vadd.f32 v10, v1  }
0xb8: {  	v2 =	vmul.f32 v6, v2;
	v3 =	vadd.f32 v4, v3;
	v0 =	vmul.f32 v5, v0;
	_ =	sdelay $0x1  }
0xb9: {  	v1 =	vmul.f32 v2, v1;
	v0 =	vadd.f32 v0, v3;
	_ =	sdelay $0x1  }
0xba: {  	v0 =	vadd.f32 v1, v0;
	_ =	sdelay $0x1  }
0xbb: {  	s0 =	simm.s32 $0x0;
	[tilespmem:s31+$0x14A00] =	vst v0  }
0xbc: {  	[hbm4b:s11+s0] =	stream.linear.scatter [tilespmem:s30], [sflag:$0x4], $0x4000, $0x38;
	[tilespmem:$0x18A00] =	vst v63  }
0xbd: {  	_ =	swait.ge [sflag:s15], $0x4000  }
0xbe: {  	[sflag:s15] =	ssyncset.done $0x0  }
0xbf: {  	s5 =	simm.s32 $0x100;
	[sflag:s15] =	ssyncadd.s32 $0xFFFFC000  }
0xc0: {  	[tilespmem:s21], [sflag:$0x1] =	stream.indirect.gather [hbm4b:s3+s20], $0x80, s5, s20, $0xb8;
	[tilespmem:$0x18A00] =	vst v63  }
0xc1: {  	s5 =	simm.s32 $0x300  }
0xc2: {  	[tilespmem:s22], [sflag:$0x1] =	stream.indirect.gather [hbm4b:s3+s20], $0x80, s5, s20, $0xb8;
	[tilespmem:$0x18A00] =	vst v63  }
0xc3: {  	s5 =	simm.s32 $0x500  }
0xc4: {  	[tilespmem:s23], [sflag:$0x2] =	stream.indirect.gather [hbm4b:s4+s20], $0x80, s5, s20, $0xb8;
	[tilespmem:$0x18A00] =	vst v63  }
0xc5: {  	s5 =	simm.s32 $0x700  }
0xc6: {  	[tilespmem:s24], [sflag:$0x3] =	stream.indirect.gather [hbm4b:s3+s20], $0x80, s5, s20, $0xb8;
	[tilespmem:$0x18A00] =	vst v63  }
0xc7: {  	s5 =	simm.s32 $0x900  }
0xc8: {  	[tilespmem:s25], [sflag:$0x3] =	stream.indirect.gather [hbm4b:s3+s20], $0x80, s5, s20, $0xb8;
	[tilespmem:$0x18A00] =	vst v63  }
0xc9: {  	_ =	swait.ge [sflag:s26], $0x4000  }
0xca: {  	[sflag:s26] =	ssyncset.done $0x0  }
0xcb: {  	[sflag:s26] =	ssyncadd.s32 $0xFFFFC000  }
0xcc: {  	_ =	swait.ge [sflag:s26], $0x4000  }
0xcd: {  	[sflag:s26] =	ssyncset.done $0x0  }
0xce: {  	[sflag:s26] =	ssyncadd.s32 $0xFFFFC000  }
0xcf: {  	_ =	swait.ge [sflag:s28], $0x4000  }
0xd0: {  	[sflag:s28] =	ssyncset.done $0x0  }
0xd1: {  	[sflag:s28] =	ssyncadd.s32 $0xFFFFC000  }
0xd2: {  	_ =	swait.ge [sflag:s29], $0x4000  }
0xd3: {  	[sflag:s29] =	ssyncset.done $0x0  }
0xd4: {  	[sflag:s29] =	ssyncadd.s32 $0xFFFFC000  }
0xd5: {  	_ =	swait.ge [sflag:s29], $0x4000  }
0xd6: {  	[sflag:s29] =	ssyncset.done $0x0  }
0xd7: {  	s31 =	simm.s32 $0x0;
	[sflag:s29] =	ssyncadd.s32 $0xFFFFC000  }
0xd8: {  	v1 =	vld [tilespmem:s31+$0xCA30]  }
0xd9: {  	v0 =	vld [tilespmem:s31+$0xCA20]  }
0xda: {  	v2 =	vld [tilespmem:s31+$0x10A60]  }
0xdb: {  	v3 =	vld [tilespmem:s31+$0xA30]  }
0xdc: {  	v4 =	vld [tilespmem:s31+$0xCA10]  }
0xdd: {  	v6 =	vld [tilespmem:s31+$0x10A50]  }
0xde: {  	v5 =	vld [tilespmem:s31+$0x8A10]  }
0xdf: {  	v7 =	vld [tilespmem:s31+$0xCA00]  }
0xe0: {  	v8 =	vld [tilespmem:s31+$0x10A40]  }
0xe1: {  	v9 =	vld [tilespmem:s31+$0x8A00]  }
0xe2: {  	s0 =	simm.s32 $0x200;
	v10 =	vld [tilespmem:s31+$0xA00]  }
.LBB2_6:
0xe3: {  	p0 =	sne.s32 s0, $0xFE00;
	v11 =	vld [tilespmem:s31+$0x4A40]  }
0xe4: {  	v12 =	vld [tilespmem:s31+$0xA10]  }
0xe5: {  	v13 =	vld [tilespmem:s31+$0x4A50]  }
0xe6: {  	v14 =	vld [tilespmem:s31+$0xA20]  }
0xe7: {  	v15 =	vld [tilespmem:s31+$0x4A60]  }
0xe8: {  	v10 =	vadd.f32 v11, v10;
	v11 =	vld [tilespmem:s31+$0x4A70]  }
0xe9: {  	v16 =	vld [tilespmem:s31+$0x8A20]  }
0xea: {  	v7 =	vadd.f32 v8, v7;
	v8 =	vmul.f32 v9, v10;
	v9 =	vadd.f32 v13, v12;
	v10 =	vld [tilespmem:s31+$0x10A70]  }
0xeb: {  	s5 =	sshra.s32 s0, $0x2;
	v4 =	vadd.f32 v6, v4;
	v6 =	vld [tilespmem:s31+$0x8A30]  }
0xec: {  	v12 =	vld [tilespmem:s5+$0xCA30];
	v7 =	vmul.f32 v8, v7;
	v5 =	vmul.f32 v5, v9;
	v8 =	vadd.f32 v15, v14  }
0xed: {  	v9 =	vadd.f32 v2, v0;
	v0 =	vld [tilespmem:s5+$0xCA20];
	v11 =	vadd.f32 v11, v3  }
0xee: {  	v2 =	vld [tilespmem:s5+$0x10A60];
	v7 =	vadd.f32 $0.0e+00, v7;
	v5 =	vmul.f32 v5, v4;
	v8 =	vmul.f32 v16, v8  }
0xef: {  	v3 =	vld [tilespmem:s5+$0xA30];
	v10 =	vadd.f32 v10, v1  }
0xf0: {  	v4 =	vld [tilespmem:s5+$0xCA10];
	v7 =	vadd.f32 v5, v7;
	v8 =	vmul.f32 v8, v9;
	v9 =	vmul.f32 v6, v11  }
0xf1: {  	v6 =	vld [tilespmem:s5+$0x10A50];
	v1 =	vmov v12  }
.Ltmp2:
0xf2: {  	v5 =	vld [tilespmem:s5+$0x8A10];
	v11 =	vadd.f32 v8, v7;
	v9 =	vmul.f32 v9, v10;
	(pc) =	sbr.rel @p0 .LBB2_6-.Ltmp2, $4  }
0xf3: {  	v7 =	vld [tilespmem:s5+$0xCA00]  }
0xf4: {  	v8 =	vld [tilespmem:s5+$0x10A40];
	v11 =	vadd.f32 v9, v11  }
0xf5: {  	v9 =	vld [tilespmem:s5+$0x8A00]  }
0xf6: {  	s0 =	sadd.s32 $0x200, s0;
	v10 =	vld [tilespmem:s5+$0xA00];
	[tilespmem:s31+$0x14A00] =	vst v11;
	s31 =	smov.u32 s5  }
0xf7: {  	v11 =	vld [tilespmem:s31+$0x4A40]  }
0xf8: {  	v12 =	vld [tilespmem:s31+$0xA10]  }
0xf9: {  	v13 =	vld [tilespmem:s31+$0x4A50]  }
0xfa: {  	v14 =	vld [tilespmem:s31+$0xA20]  }
0xfb: {  	v15 =	vld [tilespmem:s31+$0x4A60]  }
0xfc: {  	v10 =	vadd.f32 v11, v10;
	v11 =	vld [tilespmem:s31+$0x4A70]  }
0xfd: {  	v16 =	vld [tilespmem:s31+$0x8A20]  }
0xfe: {  	v7 =	vadd.f32 v8, v7;
	v8 =	vmul.f32 v9, v10;
	v9 =	vadd.f32 v13, v12;
	v10 =	vld [tilespmem:s31+$0x10A70]  }
0xff: {  	v4 =	vadd.f32 v6, v4;
	v6 =	vld [tilespmem:s31+$0x8A30]  }
0x100: {  	v7 =	vmul.f32 v8, v7;
	v5 =	vmul.f32 v5, v9;
	v8 =	vadd.f32 v15, v14  }
0x101: {  	v0 =	vadd.f32 v2, v0;
	v2 =	vadd.f32 v11, v3  }
0x102: {  	v3 =	vadd.f32 $0.0e+00, v7;
	v4 =	vmul.f32 v5, v4;
	v5 =	vmul.f32 v16, v8  }
0x103: {  	v1 =	vadd.f32 v10, v1  }
0x104: {  	v2 =	vmul.f32 v6, v2;
	v3 =	vadd.f32 v4, v3;
	v0 =	vmul.f32 v5, v0;
	_ =	sdelay $0x1  }
0x105: {  	v1 =	vmul.f32 v2, v1;
	v0 =	vadd.f32 v0, v3;
	_ =	sdelay $0x1  }
0x106: {  	v0 =	vadd.f32 v1, v0;
	_ =	sdelay $0x1  }
0x107: {  	s0 =	simm.s32 $0x0;
	[tilespmem:s31+$0x14A00] =	vst v0  }
0x108: {  	[hbm4b:s12+s0] =	stream.linear.scatter [tilespmem:s30], [sflag:$0x4], $0x4000, $0x38;
	[tilespmem:$0x18A00] =	vst v63  }
0x109: {  	_ =	swait.ge [sflag:s15], $0x4000  }
0x10a: {  	[sflag:s15] =	ssyncset.done $0x0  }
0x10b: {  	s5 =	simm.s32 $0x180;
	[sflag:s15] =	ssyncadd.s32 $0xFFFFC000  }
0x10c: {  	[tilespmem:s21], [sflag:$0x1] =	stream.indirect.gather [hbm4b:s3+s20], $0x80, s5, s20, $0xb8;
	[tilespmem:$0x18A00] =	vst v63  }
0x10d: {  	s5 =	simm.s32 $0x380  }
0x10e: {  	[tilespmem:s22], [sflag:$0x1] =	stream.indirect.gather [hbm4b:s3+s20], $0x80, s5, s20, $0xb8;
	[tilespmem:$0x18A00] =	vst v63  }
0x10f: {  	s5 =	simm.s32 $0x580  }
0x110: {  	[tilespmem:s23], [sflag:$0x2] =	stream.indirect.gather [hbm4b:s4+s20], $0x80, s5, s20, $0xb8;
	[tilespmem:$0x18A00] =	vst v63  }
0x111: {  	s5 =	simm.s32 $0x780  }
0x112: {  	[tilespmem:s24], [sflag:$0x3] =	stream.indirect.gather [hbm4b:s3+s20], $0x80, s5, s20, $0xb8;
	[tilespmem:$0x18A00] =	vst v63  }
0x113: {  	s5 =	simm.s32 $0x980  }
0x114: {  	[tilespmem:s25], [sflag:$0x3] =	stream.indirect.gather [hbm4b:s3+s20], $0x80, s5, s20, $0xb8;
	[tilespmem:$0x18A00] =	vst v63  }
0x115: {  	_ =	swait.ge [sflag:s26], $0x4000  }
0x116: {  	[sflag:s26] =	ssyncset.done $0x0  }
0x117: {  	[sflag:s26] =	ssyncadd.s32 $0xFFFFC000  }
0x118: {  	_ =	swait.ge [sflag:s26], $0x4000  }
0x119: {  	[sflag:s26] =	ssyncset.done $0x0  }
0x11a: {  	[sflag:s26] =	ssyncadd.s32 $0xFFFFC000  }
0x11b: {  	_ =	swait.ge [sflag:s28], $0x4000  }
0x11c: {  	[sflag:s28] =	ssyncset.done $0x0  }
0x11d: {  	[sflag:s28] =	ssyncadd.s32 $0xFFFFC000  }
0x11e: {  	_ =	swait.ge [sflag:s29], $0x4000  }
0x11f: {  	[sflag:s29] =	ssyncset.done $0x0  }
0x120: {  	[sflag:s29] =	ssyncadd.s32 $0xFFFFC000  }
0x121: {  	_ =	swait.ge [sflag:s29], $0x4000  }
0x122: {  	[sflag:s29] =	ssyncset.done $0x0  }
0x123: {  	s31 =	simm.s32 $0x0;
	[sflag:s29] =	ssyncadd.s32 $0xFFFFC000  }
0x124: {  	v1 =	vld [tilespmem:s31+$0xCA30]  }
0x125: {  	v0 =	vld [tilespmem:s31+$0xCA20]  }
0x126: {  	v2 =	vld [tilespmem:s31+$0x10A60]  }
0x127: {  	v3 =	vld [tilespmem:s31+$0xA30]  }
0x128: {  	v4 =	vld [tilespmem:s31+$0xCA10]  }
0x129: {  	v6 =	vld [tilespmem:s31+$0x10A50]  }
0x12a: {  	v5 =	vld [tilespmem:s31+$0x8A10]  }
0x12b: {  	v7 =	vld [tilespmem:s31+$0xCA00]  }
0x12c: {  	v8 =	vld [tilespmem:s31+$0x10A40]  }
0x12d: {  	v9 =	vld [tilespmem:s31+$0x8A00]  }
0x12e: {  	s0 =	simm.s32 $0x200;
	v10 =	vld [tilespmem:s31+$0xA00]  }
.LBB2_8:
0x12f: {  	p0 =	sne.s32 s0, $0xFE00;
	v11 =	vld [tilespmem:s31+$0x4A40]  }
0x130: {  	v12 =	vld [tilespmem:s31+$0xA10]  }
0x131: {  	v13 =	vld [tilespmem:s31+$0x4A50]  }
0x132: {  	v14 =	vld [tilespmem:s31+$0xA20]  }
0x133: {  	v15 =	vld [tilespmem:s31+$0x4A60]  }
0x134: {  	v10 =	vadd.f32 v11, v10;
	v11 =	vld [tilespmem:s31+$0x4A70]  }
0x135: {  	v16 =	vld [tilespmem:s31+$0x8A20]  }
0x136: {  	v7 =	vadd.f32 v8, v7;
	v8 =	vmul.f32 v9, v10;
	v9 =	vadd.f32 v13, v12;
	v10 =	vld [tilespmem:s31+$0x10A70]  }
0x137: {  	s5 =	sshra.s32 s0, $0x2;
	v4 =	vadd.f32 v6, v4;
	v6 =	vld [tilespmem:s31+$0x8A30]  }
0x138: {  	v12 =	vld [tilespmem:s5+$0xCA30];
	v7 =	vmul.f32 v8, v7;
	v5 =	vmul.f32 v5, v9;
	v8 =	vadd.f32 v15, v14  }
0x139: {  	v9 =	vadd.f32 v2, v0;
	v0 =	vld [tilespmem:s5+$0xCA20];
	v11 =	vadd.f32 v11, v3  }
0x13a: {  	v2 =	vld [tilespmem:s5+$0x10A60];
	v7 =	vadd.f32 $0.0e+00, v7;
	v5 =	vmul.f32 v5, v4;
	v8 =	vmul.f32 v16, v8  }
0x13b: {  	v3 =	vld [tilespmem:s5+$0xA30];
	v10 =	vadd.f32 v10, v1  }
0x13c: {  	v4 =	vld [tilespmem:s5+$0xCA10];
	v7 =	vadd.f32 v5, v7;
	v8 =	vmul.f32 v8, v9;
	v9 =	vmul.f32 v6, v11  }
0x13d: {  	v6 =	vld [tilespmem:s5+$0x10A50];
	v1 =	vmov v12  }
.Ltmp3:
0x13e: {  	v5 =	vld [tilespmem:s5+$0x8A10];
	v11 =	vadd.f32 v8, v7;
	v9 =	vmul.f32 v9, v10;
	(pc) =	sbr.rel @p0 .LBB2_8-.Ltmp3, $4  }
0x13f: {  	v7 =	vld [tilespmem:s5+$0xCA00]  }
0x140: {  	v8 =	vld [tilespmem:s5+$0x10A40];
	v11 =	vadd.f32 v9, v11  }
0x141: {  	v9 =	vld [tilespmem:s5+$0x8A00]  }
0x142: {  	s0 =	sadd.s32 $0x200, s0;
	v10 =	vld [tilespmem:s5+$0xA00];
	[tilespmem:s31+$0x14A00] =	vst v11;
	s31 =	smov.u32 s5  }
0x143: {  	v11 =	vld [tilespmem:s31+$0x4A40]  }
0x144: {  	v12 =	vld [tilespmem:s31+$0xA10]  }
0x145: {  	v13 =	vld [tilespmem:s31+$0x4A50]  }
0x146: {  	v14 =	vld [tilespmem:s31+$0xA20]  }
0x147: {  	v15 =	vld [tilespmem:s31+$0x4A60]  }
0x148: {  	v55 =	vld [tilespmem:s31+$0x4A70];
	v10 =	vadd.f32 v11, v10  }
0x149: {  	v16 =	vld [tilespmem:s31+$0x8A20]  }
0x14a: {  	v58 =	vld [tilespmem:s31+$0x10A70];
	v7 =	vadd.f32 v8, v7;
	v57 =	vadd.f32 v13, v12;
	v56 =	vmul.f32 v9, v10  }
0x14b: {  	v4 =	vadd.f32 v6, v4;
	v59 =	vld [tilespmem:s31+$0x8A30]  }
0x14c: {  	v60 =	vadd.f32 v15, v14;
	v5 =	vmul.f32 v5, v57;
	v7 =	vmul.f32 v56, v7  }
0x14d: {  	v0 =	vadd.f32 v2, v0;
	v61 =	vadd.f32 v55, v3  }
0x14e: {  	v63 =	vmul.f32 v16, v60;
	v4 =	vmul.f32 v5, v4;
	v62 =	vadd.f32 $0.0e+00, v7  }
0x14f: {  	v1 =	vadd.f32 v58, v1  }
0x150: {  	v2 =	vmul.f32 v59, v61;
	v0 =	vmul.f32 v63, v0;
	v3 =	vadd.f32 v4, v62;
	_ =	sdelay $0x1  }
0x151: {  	v1 =	vmul.f32 v2, v1;
	v0 =	vadd.f32 v0, v3;
	_ =	sdelay $0x1  }
0x152: {  	s1 =	sadd.s32 $0x1, s1;
	v0 =	vadd.f32 v1, v0  }
0x153: {  	p0 =	sne.s32 s1, s14  }
.Ltmp4:
0x154: {  	[tilespmem:s31+$0x14A00] =	vst v0;
	(pc) =	sbr.rel @p0 .LBB2_1-.Ltmp4, $4  }
0x155: {  	[hbm4b:s13+s2] =	stream.linear.scatter [tilespmem:s30], [sflag:$0x4], $0x4000, $0x38;
	[tilespmem:$0x18A00] =	vst v63  }
0x156: {  	_ =	swait.ge [sflag:s15], $0x4000  }
0x157: {  	[sflag:s15] =	ssyncset.done $0x0  }
0x158: {  	[sflag:s15] =	ssyncadd.s32 $0xFFFFC000  }
0x159: {  	_ =	sfence.sel $0x180000  }
0x15a: {  	[bflag:$0x0] =	sbarrier.arrive $0xFFFF  }
0x15b: {  	_ =	strace $0x90000047  }
0x15c: {  	s0 =	stileid.u32;
	[bflag:$0x2] =	sbarrier.arrive $0xFFFF  }
0x15d: {  	p0 =	sne.s32 s0, $0x0;
	s0 =	rddreg [dreg:$0x3]  }
0x15e: {  	s0 =	sadd.s32 @!p0 $0x100000, s0  }
0x15f: {  	[sflag:s0] =	ssyncadd.tile.s32 @!p0 $0x1;
	_ =	shalt  }
.Lfunc_end2:
_tile_overlayer_lowered:
.L_overlay_start_2:
0x160: {  	(tag) =	ssettag $0x2  }
0x161: {  	s0 =	rddreg [dreg:$0x0];
	s2 =	stileid.u32  }
0x162: {  	s1 =	rddreg [dreg:$0x1];
	p0 =	sne.s32 s2, $0x0  }
0x163: {  	s3 =	rddreg [dreg:$0x2];
	[bflag:$0x3] =	sbarrier.arrive $0xFFFF;
	s2 =	simm.s32 @!p0 $0x1C04  }
0x164: {  	[timem:s3], [sflag:s2] =	dma.local @!p0 [hbm:s0], s1  }
0x165: {  	s0 =	simm.s32 @!p0 $0x4  }
0x166: {  	_ =	swait.ge @!p0 [sflag:s0], s1  }
0x167: {  	s1 =	ssub.s32 @!p0 $0x0, s1;
	[sflag:s0] =	ssyncset.done @!p0 $0x0  }
0x168: {  	[sflag:s0] =	ssyncadd.s32 @!p0 s1  }
0x169: {  	[bflag:$0x3] =	sbarrier.arrive $0xFFFF  }
0x16a: {  	_ =	shalt  }

</sc_bundles>
